<compile_context>
chip_gen: v7x
topology: tpu7x:2x2x1
jax: 0.10.2.dev20260603
libtpu: 0.0.44.dev20260713+nightly
codegen_flags: <defaults>
</compile_context>

<pallas_src>
import functools

import jax
import jax.numpy as jnp
from jax import lax
from jax.experimental import pallas as pl
from jax.experimental.pallas import tpu as pltpu
from jax.experimental.pallas import tpu_sc as plsc

N = 10000
F = 128
E = 320000
G = 64
NC, NS = 2, 16
NW = NC * NS
EPW = E // NW
K = 100
NCHUNK = 100
NCHUNKP = NCHUNK
NPAD = 10240
TPT = NPAD // NS
R = 2000
NB = N // R

_mesh = plsc.VectorSubcoreMesh(core_axis_name="c", subcore_axis_name="s")



@functools.partial(
    pl.kernel,
    out_type=jax.ShapeDtypeStruct((NC, NPAD), jnp.float32),
    mesh=_mesh,
    scratch_types=[
        pltpu.VMEM((NCHUNKP, K), jnp.int32),
        pltpu.VMEM((K,), jnp.float32),
        pltpu.VMEM_SHARED((NPAD,), jnp.float32),
    ],
)
def _sc_degree(dst_hbm, z_hbm, ones_hbm, out_hbm, dst_v, ones_v, acc_sh):
    c = lax.axis_index("c")
    s = lax.axis_index("s")
    w = c * NS + s
    pltpu.sync_copy(z_hbm.at[pl.ds(s * TPT, TPT)], acc_sh.at[pl.ds(s * TPT, TPT)])
    pltpu.sync_copy(dst_hbm.at[w], dst_v)
    pltpu.sync_copy(ones_hbm, ones_v)
    plsc.subcore_barrier()

    def body(j, carry):
        pltpu.sync_copy(ones_v, acc_sh.at[dst_v.at[j]], add=True)
        return carry

    lax.fori_loop(0, NCHUNK, body, 0)
    plsc.subcore_barrier()
    pltpu.sync_copy(acc_sh.at[pl.ds(s * TPT, TPT)],
                    out_hbm.at[c, pl.ds(s * TPT, TPT)])


@functools.partial(
    pl.kernel,
    out_type=jax.ShapeDtypeStruct((NC, NPAD, F), jnp.float32),
    mesh=_mesh,
    scratch_types=[
        pltpu.VMEM((NCHUNKP, K), jnp.int32),
        pltpu.VMEM((NCHUNKP, K), jnp.int32),
        pltpu.VMEM((K, F), jnp.float32),
        pltpu.VMEM_SHARED((NPAD, F), jnp.float32),
        pltpu.SemaphoreType.DMA,
    ],
)
def _sc_edge(hs_hbm, src_hbm, dst_hbm, z_hbm, out_hbm,
             src_v, dst_v, rows_v, acc_sh, sem):
    c = lax.axis_index("c")
    s = lax.axis_index("s")
    w = c * NS + s
    pltpu.sync_copy(z_hbm.at[pl.ds(s * TPT, TPT)], acc_sh.at[pl.ds(s * TPT, TPT)])
    pltpu.sync_copy(src_hbm.at[w], src_v)
    pltpu.sync_copy(dst_hbm.at[w], dst_v)
    plsc.subcore_barrier()

    def body(j, carry):
        pltpu.async_copy(hs_hbm.at[src_v.at[j]], rows_v, sem).wait()
        pltpu.sync_copy(rows_v, acc_sh.at[dst_v.at[j]], add=True)
        return carry

    lax.fori_loop(0, NCHUNK, body, 0)
    plsc.subcore_barrier()
    pltpu.sync_copy(acc_sh.at[pl.ds(s * TPT, TPT)],
                    out_hbm.at[c, pl.ds(s * TPT, TPT)])



def _tc_mm1(x, W1):
    def body(x_ref, w_ref, h_ref):
        h_ref[...] = jnp.dot(x_ref[...], w_ref[...],
                             preferred_element_type=jnp.float32)

    return pl.pallas_call(
        body,
        grid=(NB,),
        in_specs=[
            pl.BlockSpec((R, F), lambda i: (i, 0)),
            pl.BlockSpec((F, F), lambda i: (0, 0)),
        ],
        out_specs=pl.BlockSpec((R, F), lambda i: (i, 0)),
        out_shape=jax.ShapeDtypeStruct((N, F), jnp.float32),
    )(x, W1)


def _tc_scale1(h1, cnt_t):
    def body(h_ref, c_ref, hs_ref, dis_ref):
        deg = 1.0 + c_ref[:, 0:1] + c_ref[:, 1:2]
        dis = lax.rsqrt(deg)
        hs_ref[...] = dis * h_ref[...]
        dis_ref[...] = dis

    return pl.pallas_call(
        body,
        grid=(NB,),
        in_specs=[
            pl.BlockSpec((R, F), lambda i: (i, 0)),
            pl.BlockSpec((R, 2), lambda i: (i, 0)),
        ],
        out_specs=[
            pl.BlockSpec((R, F), lambda i: (i, 0)),
            pl.BlockSpec((R, 1), lambda i: (i, 0)),
        ],
        out_shape=[
            jax.ShapeDtypeStruct((N, F), jnp.float32),
            jax.ShapeDtypeStruct((N, 1), jnp.float32),
        ],
    )(h1, cnt_t)


def _tc_mid(p, hs1, dis, b1r, W2):
    def body(p_ref, hs_ref, dis_ref, b_ref, w_ref, out_ref):
        sm = p_ref[0, :, :] + p_ref[1, :, :] + hs_ref[...]
        a = jnp.maximum(dis_ref[...] * sm + b_ref[...], 0.0)
        out_ref[...] = dis_ref[...] * jnp.dot(
            a, w_ref[...], preferred_element_type=jnp.float32)

    return pl.pallas_call(
        body,
        grid=(NB,),
        in_specs=[
            pl.BlockSpec((NC, R, F), lambda i: (0, i, 0)),
            pl.BlockSpec((R, F), lambda i: (i, 0)),
            pl.BlockSpec((R, 1), lambda i: (i, 0)),
            pl.BlockSpec((1, F), lambda i: (0, 0)),
            pl.BlockSpec((F, F), lambda i: (0, 0)),
        ],
        out_specs=pl.BlockSpec((R, F), lambda i: (i, 0)),
        out_shape=jax.ShapeDtypeStruct((N, F), jnp.float32),
    )(p, hs1, dis, b1r, W2)


def _tc_final(q, hs2, dis, b2r, batchf, L1W, l1br, L2W, l2br):
    def body(q_ref, hs_ref, dis_ref, b_ref, bf_ref, w1_ref, bb1_ref,
             w2_ref, bb2_ref, out_ref, G_acc, C_acc):
        i = pl.program_id(0)

        @pl.when(i == 0)
        def _():
            G_acc[...] = jnp.zeros_like(G_acc)
            C_acc[...] = jnp.zeros_like(C_acc)

        sm = q_ref[0, :, :] + q_ref[1, :, :] + hs_ref[...]
        h2 = jnp.maximum(dis_ref[...] * sm + b_ref[...], 0.0)
        gid = lax.broadcasted_iota(jnp.int32, (R, G), 1).astype(jnp.float32)
        oh = (bf_ref[...] == gid).astype(jnp.float32)
        G_acc[...] += lax.dot_general(
            oh, h2, (((0,), (0,)), ((), ())),
            preferred_element_type=jnp.float32)
        C_acc[...] += lax.dot_general(
            oh, jnp.ones((R, 1), jnp.float32), (((0,), (0,)), ((), ())),
            preferred_element_type=jnp.float32)

        @pl.when(i == NB - 1)
        def _():
            g = G_acc[...] / jnp.maximum(C_acc[...], 1.0)
            z = jnp.maximum(
                jnp.dot(g, w1_ref[...], preferred_element_type=jnp.float32)
                + bb1_ref[...], 0.0)
            out_ref[...] = jnp.dot(
                z, w2_ref[...], preferred_element_type=jnp.float32) + bb2_ref[...]

    return pl.pallas_call(
        body,
        grid=(NB,),
        in_specs=[
            pl.BlockSpec((NC, R, F), lambda i: (0, i, 0)),
            pl.BlockSpec((R, F), lambda i: (i, 0)),
            pl.BlockSpec((R, 1), lambda i: (i, 0)),
            pl.BlockSpec((1, F), lambda i: (0, 0)),
            pl.BlockSpec((R, 1), lambda i: (i, 0)),
            pl.BlockSpec((F, 64), lambda i: (0, 0)),
            pl.BlockSpec((1, 64), lambda i: (0, 0)),
            pl.BlockSpec((64, 40), lambda i: (0, 0)),
            pl.BlockSpec((1, 40), lambda i: (0, 0)),
        ],
        out_specs=pl.BlockSpec((G, 40), lambda i: (0, 0)),
        out_shape=jax.ShapeDtypeStruct((G, 40), jnp.float32),
        scratch_shapes=[
            pltpu.VMEM((G, F), jnp.float32),
            pltpu.VMEM((G, 1), jnp.float32),
        ],
    )(q, hs2, dis, b2r, batchf, L1W, l1br, L2W, l2br)



def kernel(x, edge_index, batch, W1, b1, W2, b2, L1W, L1b, L2W, L2b):
    src = edge_index[0].reshape(NW, NCHUNKP, K)
    dst = edge_index[1].reshape(NW, NCHUNKP, K)
    z1 = jnp.zeros((NPAD,), jnp.float32)
    z2 = jnp.zeros((NPAD, F), jnp.float32)
    b1r = b1.reshape(1, F)
    b2r = b2.reshape(1, F)
    l1br = L1b.reshape(1, 64)
    l2br = L2b.reshape(1, 40)
    batchf = batch.astype(jnp.float32).reshape(N, 1)

    ones = jnp.ones((K,), jnp.float32)
    cnt = _sc_degree(dst, z1, ones)
    h1 = _tc_mm1(x, W1)
    cnt_t = cnt.T
    hs1, dis = _tc_scale1(h1, cnt_t)
    p = _sc_edge(hs1, src, dst, z2)
    hs2 = _tc_mid(p, hs1, dis, b1r, W2)
    q = _sc_edge(hs2, src, dst, z2)
    return _tc_final(q, hs2, dis, b2r, batchf, L1W, l1br, L2W, l2br)

# --- scband reference (transcript-rebuilt; emitter-appended) ---
"""Pipeline reference for scband-gcn3-dclassifier-25847113187817 (READ-ONLY COPY).

The authoritative reference and input builder live on the scoring server;
editing this copy changes nothing except your own understanding.
"""

import jax, jax.numpy as jnp
import numpy as np

N_NODES = 10000
N_GRAPHS = 64

def gcn_conv(x, src, dst, W, b, num_nodes):
    # PyG GCNConv: x' = D^{-1/2} (A + I) D^{-1/2} X W + b (self-loops added)
    loop = jnp.arange(num_nodes, dtype=src.dtype)
    src_sl = jnp.concatenate([src, loop])
    dst_sl = jnp.concatenate([dst, loop])
    h = x @ W
    deg = jax.ops.segment_sum(jnp.ones_like(dst_sl, dtype=h.dtype), dst_sl, num_segments=num_nodes)
    dis = jnp.where(deg > 0, deg ** -0.5, 0.0)
    norm = dis[src_sl] * dis[dst_sl]
    msg = h[src_sl] * norm[:, None]
    out = jax.ops.segment_sum(msg, dst_sl, num_segments=num_nodes)
    return out + b

def global_mean_pool(x, batch, num_graphs):
    sums = jax.ops.segment_sum(x, batch, num_segments=num_graphs)
    cnts = jax.ops.segment_sum(jnp.ones((x.shape[0],), dtype=x.dtype), batch, num_segments=num_graphs)
    return sums / jnp.clip(cnts, 1.0)[:, None]

def setup_inputs(seed: int = 0) -> dict:
    key = jax.random.key(seed)
    ks = jax.random.split(key, 12)
    x = jax.random.normal(ks[0], (N_NODES, 128), dtype=jnp.float32)
    edge_index = jax.random.randint(ks[1], (2, 320000), 0, N_NODES, dtype=jnp.int64 if jax.config.jax_enable_x64 else jnp.int32).astype(jnp.int32)
    batch = jnp.sort(jax.random.randint(ks[2], (N_NODES,), 0, N_GRAPHS)).astype(jnp.int32)
    def glorot(k, shape):
        lim = (6.0 / (shape[0] + shape[1])) ** 0.5
        return jax.random.uniform(k, shape, jnp.float32, -lim, lim)
    W1 = glorot(ks[3], (128, 128)); b1 = jnp.zeros((128,), jnp.float32)
    W2 = glorot(ks[4], (128, 128)); b2 = jnp.zeros((128,), jnp.float32)
    L1W = glorot(ks[5], (128, 64)); L1b = jnp.zeros((64,), jnp.float32)
    L2W = glorot(ks[6], (64, 40)); L2b = jnp.zeros((40,), jnp.float32)
    return {"x": x, "edge_index": edge_index, "batch": batch, "W1": W1, "b1": b1, "W2": W2, "b2": b2, "L1W": L1W, "L1b": L1b, "L2W": L2W, "L2b": L2b}

def reference(x, edge_index, batch, W1, b1, W2, b2, L1W, L1b, L2W, L2b):
    src, dst = edge_index[0], edge_index[1]
    h = gcn_conv(x, src, dst, W1, b1, N_NODES)
    h = jax.nn.relu(h)
    # dropout: identity in eval mode
    h = gcn_conv(h, src, dst, W2, b2, N_NODES)
    h = jax.nn.relu(h)
    g = global_mean_pool(h, batch, N_GRAPHS)
    g = jax.nn.relu(g @ L1W + L1b)
    out = g @ L2W + L2b
    return out

if __name__ == "__main__":
    import jax
    _d = setup_inputs()
    print(jax.jit(kernel)(*tuple(_d.values())))

</pallas_src>

<mosaic_0001>
#map = affine_map<(d0, d1) -> (0, 0, 0)>
#map1 = affine_map<(d0, d1) -> (0)>
#map2 = affine_map<(d0, d1) -> (0, 0)>
module attributes {stable_mosaic.version = 14 : i64} {
  func.func @_sc_degree(%arg0: i32, %arg1: i32, %arg2: memref<32x100x100xi32, #tpu.memory_space<hbm>>, %arg3: memref<10240xf32, #tpu.memory_space<hbm>>, %arg4: memref<100xf32, #tpu.memory_space<hbm>>, %arg5: memref<2x10240xf32, #tpu.memory_space<hbm>>, %arg6: memref<100x100xi32, #tpu.memory_space<vmem>>, %arg7: memref<100xf32, #tpu.memory_space<vmem>>, %arg8: memref<10240xf32, #tpu.memory_space<vmem_shared>>) attributes {dimension_semantics = [#tpu.dimension_semantics<core_parallel>, #tpu.dimension_semantics<subcore_parallel>], iteration_bounds = array<i64: 2, 16>, scalar_prefetch = 0 : i64, scratch_operands = 3 : i64, tpu.core_type = #tpu.core_type<sc_vector_subcore>, window_params = [{transform_indices = #map}, {transform_indices = #map1}, {transform_indices = #map1}, {transform_indices = #map2}]} {
    %mul3A = arith.constant 16 : i32
    %mul3A_0 = arith.muli %arg0, %mul3A : i32
    %add3A = arith.addi %mul3A_0, %arg1 : i32
    %mul3A_1 = arith.constant 640 : i32
    %mul3A_2 = arith.muli %arg1, %mul3A_1 : i32
    %mul3A_3 = arith.constant 640 : i32
    %mul3A_4 = arith.muli %arg1, %mul3A_3 : i32
    "tpu.region"() ({
      %run_scoped3A = tpu.sem_alloc : memref<!tpu.dma_semaphore, #tpu.memory_space<semaphore_mem>>
      %dma_start3A = tpu.memref_slice %arg8[%mul3A_4] : memref<10240xf32, #tpu.memory_space<vmem_shared>> -> memref<640xf32, #tpu.memory_space<vmem_shared>>
      %dma_start3A_15 = tpu.memref_slice %arg3[%mul3A_2] : memref<10240xf32, #tpu.memory_space<hbm>> -> memref<640xf32, #tpu.memory_space<hbm>>
      tpu.enqueue_dma source(%dma_start3A_15 : memref<640xf32, #tpu.memory_space<hbm>>) target(%dma_start3A : memref<640xf32, #tpu.memory_space<vmem_shared>>) target_semaphore(%run_scoped3A : memref<!tpu.dma_semaphore, #tpu.memory_space<semaphore_mem>>)
      %dma_wait3A = tpu.memref_slice %arg8[%mul3A_4] : memref<10240xf32, #tpu.memory_space<vmem_shared>> -> memref<640xf32, #tpu.memory_space<vmem_shared>>
      %dma_wait3A_16 = tpu.memref_slice %arg3[%mul3A_2] : memref<10240xf32, #tpu.memory_space<hbm>> -> memref<640xf32, #tpu.memory_space<hbm>>
      tpu.wait_dma2 semaphore(%run_scoped3A : memref<!tpu.dma_semaphore, #tpu.memory_space<semaphore_mem>>) src(%dma_wait3A_16 : memref<640xf32, #tpu.memory_space<hbm>>) dst(%dma_wait3A : memref<640xf32, #tpu.memory_space<vmem_shared>>)
      tpu.yield
    }) : () -> ()
    "tpu.region"() ({
      %run_scoped3A = tpu.sem_alloc : memref<!tpu.dma_semaphore, #tpu.memory_space<semaphore_mem>>
      %dma_start3A = arith.constant 0 : i32
      %dma_start3A_15 = arith.constant 0 : i32
      %dma_start3A_16 = tpu.memref_slice %arg2[%add3A, %dma_start3A, %dma_start3A_15] : memref<32x100x100xi32, #tpu.memory_space<hbm>> -> memref<1x100x100xi32, #tpu.memory_space<hbm>>
      %dma_start3A_17 = tpu.memref_squeeze %dma_start3A_16 : memref<1x100x100xi32, #tpu.memory_space<hbm>> -> memref<100x100xi32, #tpu.memory_space<hbm>>
      %dma_start3A_18 = arith.constant 0 : i32
      %dma_start3A_19 = arith.constant 0 : i32
      %dma_start3A_20 = tpu.memref_slice %arg2[%add3A, %dma_start3A_18, %dma_start3A_19] : memref<32x100x100xi32, #tpu.memory_space<hbm>> -> memref<1x100x100xi32, #tpu.memory_space<hbm>>
      %dma_start3A_21 = tpu.memref_squeeze %dma_start3A_20 : memref<1x100x100xi32, #tpu.memory_space<hbm>> -> memref<100x100xi32, #tpu.memory_space<hbm>>
      tpu.enqueue_dma source(%dma_start3A_21 : memref<100x100xi32, #tpu.memory_space<hbm>>) target(%arg6 : memref<100x100xi32, #tpu.memory_space<vmem>>) target_semaphore(%run_scoped3A : memref<!tpu.dma_semaphore, #tpu.memory_space<semaphore_mem>>)
      %dma_wait3A = arith.constant 0 : i32
      %dma_wait3A_22 = arith.constant 0 : i32
      %dma_wait3A_23 = tpu.memref_slice %arg2[%add3A, %dma_wait3A, %dma_wait3A_22] : memref<32x100x100xi32, #tpu.memory_space<hbm>> -> memref<1x100x100xi32, #tpu.memory_space<hbm>>
      %dma_wait3A_24 = tpu.memref_squeeze %dma_wait3A_23 : memref<1x100x100xi32, #tpu.memory_space<hbm>> -> memref<100x100xi32, #tpu.memory_space<hbm>>
      %dma_wait3A_25 = arith.constant 0 : i32
      %dma_wait3A_26 = arith.constant 0 : i32
      %dma_wait3A_27 = tpu.memref_slice %arg2[%add3A, %dma_wait3A_25, %dma_wait3A_26] : memref<32x100x100xi32, #tpu.memory_space<hbm>> -> memref<1x100x100xi32, #tpu.memory_space<hbm>>
      %dma_wait3A_28 = tpu.memref_squeeze %dma_wait3A_27 : memref<1x100x100xi32, #tpu.memory_space<hbm>> -> memref<100x100xi32, #tpu.memory_space<hbm>>
      tpu.wait_dma2 semaphore(%run_scoped3A : memref<!tpu.dma_semaphore, #tpu.memory_space<semaphore_mem>>) src(%dma_wait3A_28 : memref<100x100xi32, #tpu.memory_space<hbm>>) dst(%arg6 : memref<100x100xi32, #tpu.memory_space<vmem>>)
      tpu.yield
    }) : () -> ()
    "tpu.region"() ({
      %run_scoped3A = tpu.sem_alloc : memref<!tpu.dma_semaphore, #tpu.memory_space<semaphore_mem>>
      tpu.enqueue_dma source(%arg4 : memref<100xf32, #tpu.memory_space<hbm>>) target(%arg7 : memref<100xf32, #tpu.memory_space<vmem>>) target_semaphore(%run_scoped3A : memref<!tpu.dma_semaphore, #tpu.memory_space<semaphore_mem>>)
      tpu.wait_dma2 semaphore(%run_scoped3A : memref<!tpu.dma_semaphore, #tpu.memory_space<semaphore_mem>>) src(%arg4 : memref<100xf32, #tpu.memory_space<hbm>>) dst(%arg7 : memref<100xf32, #tpu.memory_space<vmem>>)
      tpu.yield
    }) : () -> ()
    %barrier3A = arith.constant 0 : index
    tpu.barrier barrier_id(%barrier3A)
    %scan3A = arith.constant 0 : i32
    %scan3A_5 = arith.constant 0 : i32
    %scan3A_6 = arith.constant 100 : i32
    %scan3A_7 = arith.addi %scan3A_5, %scan3A_6 : i32
    %scan3A_8 = arith.constant 1 : i32
    scf.for %scan3A_15 = %scan3A_5 to %scan3A_7 step %scan3A_8  : i32 {
      "tpu.region"() ({
        %run_scoped3A = tpu.sem_alloc : memref<!tpu.dma_semaphore, #tpu.memory_space<semaphore_mem>>
        %dma_start3A = arith.constant 0 : i32
        %dma_start3A_16 = tpu.memref_slice %arg6[%scan3A_15, %dma_start3A] : memref<100x100xi32, #tpu.memory_space<vmem>> -> memref<1x100xi32, #tpu.memory_space<vmem>>
        %dma_start3A_17 = tpu.memref_squeeze %dma_start3A_16 : memref<1x100xi32, #tpu.memory_space<vmem>> -> memref<100xi32, #tpu.memory_space<vmem>>
        %dma_start3A_18 = arith.constant 0 : i32
        %dma_start3A_19 = tpu.memref_slice %arg8[%dma_start3A_18] : memref<10240xf32, #tpu.memory_space<vmem_shared>> -> memref<10240xf32, #tpu.memory_space<vmem_shared>>
        tpu.enqueue_indirect_dma source(%arg7 : memref<100xf32, #tpu.memory_space<vmem>>) target(%dma_start3A_19 : memref<10240xf32, #tpu.memory_space<vmem_shared>>) offsets(%dma_start3A_17 : memref<100xi32, #tpu.memory_space<vmem>>) semaphore(%run_scoped3A : memref<!tpu.dma_semaphore, #tpu.memory_space<semaphore_mem>>) {add = true}
        %dma_wait3A = arith.constant 0 : i32
        %dma_wait3A_20 = tpu.memref_slice %arg6[%scan3A_15, %dma_wait3A] : memref<100x100xi32, #tpu.memory_space<vmem>> -> memref<1x100xi32, #tpu.memory_space<vmem>>
        %dma_wait3A_21 = tpu.memref_squeeze %dma_wait3A_20 : memref<1x100xi32, #tpu.memory_space<vmem>> -> memref<100xi32, #tpu.memory_space<vmem>>
        %dma_wait3A_22 = arith.constant 0 : i32
        %dma_wait3A_23 = tpu.memref_slice %arg8[%dma_wait3A_22] : memref<10240xf32, #tpu.memory_space<vmem_shared>> -> memref<10240xf32, #tpu.memory_space<vmem_shared>>
        tpu.wait_indirect_dma semaphore(%run_scoped3A : memref<!tpu.dma_semaphore, #tpu.memory_space<semaphore_mem>>) src(%arg7 : memref<100xf32, #tpu.memory_space<vmem>>) dst(%dma_wait3A_23 : memref<10240xf32, #tpu.memory_space<vmem_shared>>)
        tpu.yield
      }) : () -> ()
    }
    %scan3A_9 = arith.constant 100 : i32
    %barrier3A_10 = arith.constant 0 : index
    tpu.barrier barrier_id(%barrier3A_10)
    %mul3A_11 = arith.constant 640 : i32
    %mul3A_12 = arith.muli %arg1, %mul3A_11 : i32
    %mul3A_13 = arith.constant 640 : i32
    %mul3A_14 = arith.muli %arg1, %mul3A_13 : i32
    "tpu.region"() ({
      %run_scoped3A = tpu.sem_alloc : memref<!tpu.dma_semaphore, #tpu.memory_space<semaphore_mem>>
      %dma_start3A = tpu.memref_slice %arg5[%arg0, %mul3A_14] : memref<2x10240xf32, #tpu.memory_space<hbm>> -> memref<1x640xf32, #tpu.memory_space<hbm>>
      %dma_start3A_15 = tpu.memref_squeeze %dma_start3A : memref<1x640xf32, #tpu.memory_space<hbm>> -> memref<640xf32, #tpu.memory_space<hbm>>
      %dma_start3A_16 = tpu.memref_slice %arg8[%mul3A_12] : memref<10240xf32, #tpu.memory_space<vmem_shared>> -> memref<640xf32, #tpu.memory_space<vmem_shared>>
      tpu.enqueue_dma source(%dma_start3A_16 : memref<640xf32, #tpu.memory_space<vmem_shared>>) target(%dma_start3A_15 : memref<640xf32, #tpu.memory_space<hbm>>) target_semaphore(%run_scoped3A : memref<!tpu.dma_semaphore, #tpu.memory_space<semaphore_mem>>)
      %dma_wait3A = tpu.memref_slice %arg5[%arg0, %mul3A_14] : memref<2x10240xf32, #tpu.memory_space<hbm>> -> memref<1x640xf32, #tpu.memory_space<hbm>>
      %dma_wait3A_17 = tpu.memref_squeeze %dma_wait3A : memref<1x640xf32, #tpu.memory_space<hbm>> -> memref<640xf32, #tpu.memory_space<hbm>>
      %dma_wait3A_18 = tpu.memref_slice %arg8[%mul3A_12] : memref<10240xf32, #tpu.memory_space<vmem_shared>> -> memref<640xf32, #tpu.memory_space<vmem_shared>>
      tpu.wait_dma2 semaphore(%run_scoped3A : memref<!tpu.dma_semaphore, #tpu.memory_space<semaphore_mem>>) src(%dma_wait3A_18 : memref<640xf32, #tpu.memory_space<vmem_shared>>) dst(%dma_wait3A_17 : memref<640xf32, #tpu.memory_space<hbm>>)
      tpu.yield
    }) : () -> ()
    return
  }
}

#map = affine_map<(d0, d1) -> (0, 0)>
#map1 = affine_map<(d0, d1) -> (0, 0, 0)>
module attributes {stable_mosaic.version = 14 : i64} {
  func.func @_sc_edge(%arg0: i32, %arg1: i32, %arg2: memref<10000x128xf32, #tpu.memory_space<hbm>>, %arg3: memref<32x100x100xi32, #tpu.memory_space<hbm>>, %arg4: memref<32x100x100xi32, #tpu.memory_space<hbm>>, %arg5: memref<10240x128xf32, #tpu.memory_space<hbm>>, %arg6: memref<2x10240x128xf32, #tpu.memory_space<hbm>>, %arg7: memref<100x100xi32, #tpu.memory_space<vmem>>, %arg8: memref<100x100xi32, #tpu.memory_space<vmem>>, %arg9: memref<100x128xf32, #tpu.memory_space<vmem>>, %arg10: memref<10240x128xf32, #tpu.memory_space<vmem_shared>>, %arg11: memref<!tpu.dma_semaphore, #tpu.memory_space<semaphore_mem>>) attributes {dimension_semantics = [#tpu.dimension_semantics<core_parallel>, #tpu.dimension_semantics<subcore_parallel>], iteration_bounds = array<i64: 2, 16>, scalar_prefetch = 0 : i64, scratch_operands = 5 : i64, tpu.core_type = #tpu.core_type<sc_vector_subcore>, window_params = [{transform_indices = #map}, {transform_indices = #map1}, {transform_indices = #map1}, {transform_indices = #map}, {transform_indices = #map1}]} {
    %mul3A = arith.constant 16 : i32
    %mul3A_0 = arith.muli %arg0, %mul3A : i32
    %add3A = arith.addi %mul3A_0, %arg1 : i32
    %mul3A_1 = arith.constant 640 : i32
    %mul3A_2 = arith.muli %arg1, %mul3A_1 : i32
    %mul3A_3 = arith.constant 640 : i32
    %mul3A_4 = arith.muli %arg1, %mul3A_3 : i32
    "tpu.region"() ({
      %run_scoped3A = tpu.sem_alloc : memref<!tpu.dma_semaphore, #tpu.memory_space<semaphore_mem>>
      %dma_start3A = arith.constant 0 : i32
      %dma_start3A_15 = tpu.memref_slice %arg10[%mul3A_4, %dma_start3A] : memref<10240x128xf32, #tpu.memory_space<vmem_shared>> -> memref<640x128xf32, #tpu.memory_space<vmem_shared>>
      %dma_start3A_16 = arith.constant 0 : i32
      %dma_start3A_17 = tpu.memref_slice %arg5[%mul3A_2, %dma_start3A_16] : memref<10240x128xf32, #tpu.memory_space<hbm>> -> memref<640x128xf32, #tpu.memory_space<hbm>>
      tpu.enqueue_dma source(%dma_start3A_17 : memref<640x128xf32, #tpu.memory_space<hbm>>) target(%dma_start3A_15 : memref<640x128xf32, #tpu.memory_space<vmem_shared>>) target_semaphore(%run_scoped3A : memref<!tpu.dma_semaphore, #tpu.memory_space<semaphore_mem>>)
      %dma_wait3A = arith.constant 0 : i32
      %dma_wait3A_18 = tpu.memref_slice %arg10[%mul3A_4, %dma_wait3A] : memref<10240x128xf32, #tpu.memory_space<vmem_shared>> -> memref<640x128xf32, #tpu.memory_space<vmem_shared>>
      %dma_wait3A_19 = arith.constant 0 : i32
      %dma_wait3A_20 = tpu.memref_slice %arg5[%mul3A_2, %dma_wait3A_19] : memref<10240x128xf32, #tpu.memory_space<hbm>> -> memref<640x128xf32, #tpu.memory_space<hbm>>
      tpu.wait_dma2 semaphore(%run_scoped3A : memref<!tpu.dma_semaphore, #tpu.memory_space<semaphore_mem>>) src(%dma_wait3A_20 : memref<640x128xf32, #tpu.memory_space<hbm>>) dst(%dma_wait3A_18 : memref<640x128xf32, #tpu.memory_space<vmem_shared>>)
      tpu.yield
    }) : () -> ()
    "tpu.region"() ({
      %run_scoped3A = tpu.sem_alloc : memref<!tpu.dma_semaphore, #tpu.memory_space<semaphore_mem>>
      %dma_start3A = arith.constant 0 : i32
      %dma_start3A_15 = arith.constant 0 : i32
      %dma_start3A_16 = tpu.memref_slice %arg3[%add3A, %dma_start3A, %dma_start3A_15] : memref<32x100x100xi32, #tpu.memory_space<hbm>> -> memref<1x100x100xi32, #tpu.memory_space<hbm>>
      %dma_start3A_17 = tpu.memref_squeeze %dma_start3A_16 : memref<1x100x100xi32, #tpu.memory_space<hbm>> -> memref<100x100xi32, #tpu.memory_space<hbm>>
      %dma_start3A_18 = arith.constant 0 : i32
      %dma_start3A_19 = arith.constant 0 : i32
      %dma_start3A_20 = tpu.memref_slice %arg3[%add3A, %dma_start3A_18, %dma_start3A_19] : memref<32x100x100xi32, #tpu.memory_space<hbm>> -> memref<1x100x100xi32, #tpu.memory_space<hbm>>
      %dma_start3A_21 = tpu.memref_squeeze %dma_start3A_20 : memref<1x100x100xi32, #tpu.memory_space<hbm>> -> memref<100x100xi32, #tpu.memory_space<hbm>>
      tpu.enqueue_dma source(%dma_start3A_21 : memref<100x100xi32, #tpu.memory_space<hbm>>) target(%arg7 : memref<100x100xi32, #tpu.memory_space<vmem>>) target_semaphore(%run_scoped3A : memref<!tpu.dma_semaphore, #tpu.memory_space<semaphore_mem>>)
      %dma_wait3A = arith.constant 0 : i32
      %dma_wait3A_22 = arith.constant 0 : i32
      %dma_wait3A_23 = tpu.memref_slice %arg3[%add3A, %dma_wait3A, %dma_wait3A_22] : memref<32x100x100xi32, #tpu.memory_space<hbm>> -> memref<1x100x100xi32, #tpu.memory_space<hbm>>
      %dma_wait3A_24 = tpu.memref_squeeze %dma_wait3A_23 : memref<1x100x100xi32, #tpu.memory_space<hbm>> -> memref<100x100xi32, #tpu.memory_space<hbm>>
      %dma_wait3A_25 = arith.constant 0 : i32
      %dma_wait3A_26 = arith.constant 0 : i32
      %dma_wait3A_27 = tpu.memref_slice %arg3[%add3A, %dma_wait3A_25, %dma_wait3A_26] : memref<32x100x100xi32, #tpu.memory_space<hbm>> -> memref<1x100x100xi32, #tpu.memory_space<hbm>>
      %dma_wait3A_28 = tpu.memref_squeeze %dma_wait3A_27 : memref<1x100x100xi32, #tpu.memory_space<hbm>> -> memref<100x100xi32, #tpu.memory_space<hbm>>
      tpu.wait_dma2 semaphore(%run_scoped3A : memref<!tpu.dma_semaphore, #tpu.memory_space<semaphore_mem>>) src(%dma_wait3A_28 : memref<100x100xi32, #tpu.memory_space<hbm>>) dst(%arg7 : memref<100x100xi32, #tpu.memory_space<vmem>>)
      tpu.yield
    }) : () -> ()
    "tpu.region"() ({
      %run_scoped3A = tpu.sem_alloc : memref<!tpu.dma_semaphore, #tpu.memory_space<semaphore_mem>>
      %dma_start3A = arith.constant 0 : i32
      %dma_start3A_15 = arith.constant 0 : i32
      %dma_start3A_16 = tpu.memref_slice %arg4[%add3A, %dma_start3A, %dma_start3A_15] : memref<32x100x100xi32, #tpu.memory_space<hbm>> -> memref<1x100x100xi32, #tpu.memory_space<hbm>>
      %dma_start3A_17 = tpu.memref_squeeze %dma_start3A_16 : memref<1x100x100xi32, #tpu.memory_space<hbm>> -> memref<100x100xi32, #tpu.memory_space<hbm>>
      %dma_start3A_18 = arith.constant 0 : i32
      %dma_start3A_19 = arith.constant 0 : i32
      %dma_start3A_20 = tpu.memref_slice %arg4[%add3A, %dma_start3A_18, %dma_start3A_19] : memref<32x100x100xi32, #tpu.memory_space<hbm>> -> memref<1x100x100xi32, #tpu.memory_space<hbm>>
      %dma_start3A_21 = tpu.memref_squeeze %dma_start3A_20 : memref<1x100x100xi32, #tpu.memory_space<hbm>> -> memref<100x100xi32, #tpu.memory_space<hbm>>
      tpu.enqueue_dma source(%dma_start3A_21 : memref<100x100xi32, #tpu.memory_space<hbm>>) target(%arg8 : memref<100x100xi32, #tpu.memory_space<vmem>>) target_semaphore(%run_scoped3A : memref<!tpu.dma_semaphore, #tpu.memory_space<semaphore_mem>>)
      %dma_wait3A = arith.constant 0 : i32
      %dma_wait3A_22 = arith.constant 0 : i32
      %dma_wait3A_23 = tpu.memref_slice %arg4[%add3A, %dma_wait3A, %dma_wait3A_22] : memref<32x100x100xi32, #tpu.memory_space<hbm>> -> memref<1x100x100xi32, #tpu.memory_space<hbm>>
      %dma_wait3A_24 = tpu.memref_squeeze %dma_wait3A_23 : memref<1x100x100xi32, #tpu.memory_space<hbm>> -> memref<100x100xi32, #tpu.memory_space<hbm>>
      %dma_wait3A_25 = arith.constant 0 : i32
      %dma_wait3A_26 = arith.constant 0 : i32
      %dma_wait3A_27 = tpu.memref_slice %arg4[%add3A, %dma_wait3A_25, %dma_wait3A_26] : memref<32x100x100xi32, #tpu.memory_space<hbm>> -> memref<1x100x100xi32, #tpu.memory_space<hbm>>
      %dma_wait3A_28 = tpu.memref_squeeze %dma_wait3A_27 : memref<1x100x100xi32, #tpu.memory_space<hbm>> -> memref<100x100xi32, #tpu.memory_space<hbm>>
      tpu.wait_dma2 semaphore(%run_scoped3A : memref<!tpu.dma_semaphore, #tpu.memory_space<semaphore_mem>>) src(%dma_wait3A_28 : memref<100x100xi32, #tpu.memory_space<hbm>>) dst(%arg8 : memref<100x100xi32, #tpu.memory_space<vmem>>)
      tpu.yield
    }) : () -> ()
    %barrier3A = arith.constant 0 : index
    tpu.barrier barrier_id(%barrier3A)
    %scan3A = arith.constant 0 : i32
    %scan3A_5 = arith.constant 0 : i32
    %scan3A_6 = arith.constant 100 : i32
    %scan3A_7 = arith.addi %scan3A_5, %scan3A_6 : i32
    %scan3A_8 = arith.constant 1 : i32
    scf.for %scan3A_15 = %scan3A_5 to %scan3A_7 step %scan3A_8  : i32 {
      %dma_start3A = arith.constant 0 : i32
      %dma_start3A_16 = tpu.memref_slice %arg7[%scan3A_15, %dma_start3A] : memref<100x100xi32, #tpu.memory_space<vmem>> -> memref<1x100xi32, #tpu.memory_space<vmem>>
      %dma_start3A_17 = tpu.memref_squeeze %dma_start3A_16 : memref<1x100xi32, #tpu.memory_space<vmem>> -> memref<100xi32, #tpu.memory_space<vmem>>
      %dma_start3A_18 = arith.constant 0 : i32
      %dma_start3A_19 = arith.constant 0 : i32
      %dma_start3A_20 = tpu.memref_slice %arg2[%dma_start3A_18, %dma_start3A_19] : memref<10000x128xf32, #tpu.memory_space<hbm>> -> memref<10000x128xf32, #tpu.memory_space<hbm>>
      tpu.enqueue_indirect_dma source(%dma_start3A_20 : memref<10000x128xf32, #tpu.memory_space<hbm>>) target(%arg9 : memref<100x128xf32, #tpu.memory_space<vmem>>) offsets(%dma_start3A_17 : memref<100xi32, #tpu.memory_space<vmem>>) semaphore(%arg11 : memref<!tpu.dma_semaphore, #tpu.memory_space<semaphore_mem>>)
      %dma_wait3A = arith.constant 0 : i32
      %dma_wait3A_21 = tpu.memref_slice %arg7[%scan3A_15, %dma_wait3A] : memref<100x100xi32, #tpu.memory_space<vmem>> -> memref<1x100xi32, #tpu.memory_space<vmem>>
      %dma_wait3A_22 = tpu.memref_squeeze %dma_wait3A_21 : memref<1x100xi32, #tpu.memory_space<vmem>> -> memref<100xi32, #tpu.memory_space<vmem>>
      %dma_wait3A_23 = arith.constant 0 : i32
      %dma_wait3A_24 = arith.constant 0 : i32
      %dma_wait3A_25 = tpu.memref_slice %arg2[%dma_wait3A_23, %dma_wait3A_24] : memref<10000x128xf32, #tpu.memory_space<hbm>> -> memref<10000x128xf32, #tpu.memory_space<hbm>>
      tpu.wait_indirect_dma semaphore(%arg11 : memref<!tpu.dma_semaphore, #tpu.memory_space<semaphore_mem>>) src(%dma_wait3A_25 : memref<10000x128xf32, #tpu.memory_space<hbm>>) dst(%arg9 : memref<100x128xf32, #tpu.memory_space<vmem>>)
      "tpu.region"() ({
        %run_scoped3A = tpu.sem_alloc : memref<!tpu.dma_semaphore, #tpu.memory_space<semaphore_mem>>
        %dma_start3A_26 = arith.constant 0 : i32
        %dma_start3A_27 = tpu.memref_slice %arg8[%scan3A_15, %dma_start3A_26] : memref<100x100xi32, #tpu.memory_space<vmem>> -> memref<1x100xi32, #tpu.memory_space<vmem>>
        %dma_start3A_28 = tpu.memref_squeeze %dma_start3A_27 : memref<1x100xi32, #tpu.memory_space<vmem>> -> memref<100xi32, #tpu.memory_space<vmem>>
        %dma_start3A_29 = arith.constant 0 : i32
        %dma_start3A_30 = arith.constant 0 : i32
        %dma_start3A_31 = tpu.memref_slice %arg10[%dma_start3A_29, %dma_start3A_30] : memref<10240x128xf32, #tpu.memory_space<vmem_shared>> -> memref<10240x128xf32, #tpu.memory_space<vmem_shared>>
        tpu.enqueue_indirect_dma source(%arg9 : memref<100x128xf32, #tpu.memory_space<vmem>>) target(%dma_start3A_31 : memref<10240x128xf32, #tpu.memory_space<vmem_shared>>) offsets(%dma_start3A_28 : memref<100xi32, #tpu.memory_space<vmem>>) semaphore(%run_scoped3A : memref<!tpu.dma_semaphore, #tpu.memory_space<semaphore_mem>>) {add = true}
        %dma_wait3A_32 = arith.constant 0 : i32
        %dma_wait3A_33 = tpu.memref_slice %arg8[%scan3A_15, %dma_wait3A_32] : memref<100x100xi32, #tpu.memory_space<vmem>> -> memref<1x100xi32, #tpu.memory_space<vmem>>
        %dma_wait3A_34 = tpu.memref_squeeze %dma_wait3A_33 : memref<1x100xi32, #tpu.memory_space<vmem>> -> memref<100xi32, #tpu.memory_space<vmem>>
        %dma_wait3A_35 = arith.constant 0 : i32
        %dma_wait3A_36 = arith.constant 0 : i32
        %dma_wait3A_37 = tpu.memref_slice %arg10[%dma_wait3A_35, %dma_wait3A_36] : memref<10240x128xf32, #tpu.memory_space<vmem_shared>> -> memref<10240x128xf32, #tpu.memory_space<vmem_shared>>
        tpu.wait_indirect_dma semaphore(%run_scoped3A : memref<!tpu.dma_semaphore, #tpu.memory_space<semaphore_mem>>) src(%arg9 : memref<100x128xf32, #tpu.memory_space<vmem>>) dst(%dma_wait3A_37 : memref<10240x128xf32, #tpu.memory_space<vmem_shared>>)
        tpu.yield
      }) : () -> ()
    }
    %scan3A_9 = arith.constant 100 : i32
    %barrier3A_10 = arith.constant 0 : index
    tpu.barrier barrier_id(%barrier3A_10)
    %mul3A_11 = arith.constant 640 : i32
    %mul3A_12 = arith.muli %arg1, %mul3A_11 : i32
    %mul3A_13 = arith.constant 640 : i32
    %mul3A_14 = arith.muli %arg1, %mul3A_13 : i32
    "tpu.region"() ({
      %run_scoped3A = tpu.sem_alloc : memref<!tpu.dma_semaphore, #tpu.memory_space<semaphore_mem>>
      %dma_start3A = arith.constant 0 : i32
      %dma_start3A_15 = tpu.memref_slice %arg6[%arg0, %mul3A_14, %dma_start3A] : memref<2x10240x128xf32, #tpu.memory_space<hbm>> -> memref<1x640x128xf32, #tpu.memory_space<hbm>>
      %dma_start3A_16 = tpu.memref_squeeze %dma_start3A_15 : memref<1x640x128xf32, #tpu.memory_space<hbm>> -> memref<640x128xf32, #tpu.memory_space<hbm>>
      %dma_start3A_17 = arith.constant 0 : i32
      %dma_start3A_18 = tpu.memref_slice %arg10[%mul3A_12, %dma_start3A_17] : memref<10240x128xf32, #tpu.memory_space<vmem_shared>> -> memref<640x128xf32, #tpu.memory_space<vmem_shared>>
      tpu.enqueue_dma source(%dma_start3A_18 : memref<640x128xf32, #tpu.memory_space<vmem_shared>>) target(%dma_start3A_16 : memref<640x128xf32, #tpu.memory_space<hbm>>) target_semaphore(%run_scoped3A : memref<!tpu.dma_semaphore, #tpu.memory_space<semaphore_mem>>)
      %dma_wait3A = arith.constant 0 : i32
      %dma_wait3A_19 = tpu.memref_slice %arg6[%arg0, %mul3A_14, %dma_wait3A] : memref<2x10240x128xf32, #tpu.memory_space<hbm>> -> memref<1x640x128xf32, #tpu.memory_space<hbm>>
      %dma_wait3A_20 = tpu.memref_squeeze %dma_wait3A_19 : memref<1x640x128xf32, #tpu.memory_space<hbm>> -> memref<640x128xf32, #tpu.memory_space<hbm>>
      %dma_wait3A_21 = arith.constant 0 : i32
      %dma_wait3A_22 = tpu.memref_slice %arg10[%mul3A_12, %dma_wait3A_21] : memref<10240x128xf32, #tpu.memory_space<vmem_shared>> -> memref<640x128xf32, #tpu.memory_space<vmem_shared>>
      tpu.wait_dma2 semaphore(%run_scoped3A : memref<!tpu.dma_semaphore, #tpu.memory_space<semaphore_mem>>) src(%dma_wait3A_22 : memref<640x128xf32, #tpu.memory_space<vmem_shared>>) dst(%dma_wait3A_20 : memref<640x128xf32, #tpu.memory_space<hbm>>)
      tpu.yield
    }) : () -> ()
    return
  }
}

#map = affine_map<(d0, d1) -> (0, 0)>
#map1 = affine_map<(d0, d1) -> (0, 0, 0)>
module attributes {stable_mosaic.version = 14 : i64} {
  func.func @_sc_edge(%arg0: i32, %arg1: i32, %arg2: memref<10000x128xf32, #tpu.memory_space<hbm>>, %arg3: memref<32x100x100xi32, #tpu.memory_space<hbm>>, %arg4: memref<32x100x100xi32, #tpu.memory_space<hbm>>, %arg5: memref<10240x128xf32, #tpu.memory_space<hbm>>, %arg6: memref<2x10240x128xf32, #tpu.memory_space<hbm>>, %arg7: memref<100x100xi32, #tpu.memory_space<vmem>>, %arg8: memref<100x100xi32, #tpu.memory_space<vmem>>, %arg9: memref<100x128xf32, #tpu.memory_space<vmem>>, %arg10: memref<10240x128xf32, #tpu.memory_space<vmem_shared>>, %arg11: memref<!tpu.dma_semaphore, #tpu.memory_space<semaphore_mem>>) attributes {dimension_semantics = [#tpu.dimension_semantics<core_parallel>, #tpu.dimension_semantics<subcore_parallel>], iteration_bounds = array<i64: 2, 16>, scalar_prefetch = 0 : i64, scratch_operands = 5 : i64, tpu.core_type = #tpu.core_type<sc_vector_subcore>, window_params = [{transform_indices = #map}, {transform_indices = #map1}, {transform_indices = #map1}, {transform_indices = #map}, {transform_indices = #map1}]} {
    %mul3A = arith.constant 16 : i32
    %mul3A_0 = arith.muli %arg0, %mul3A : i32
    %add3A = arith.addi %mul3A_0, %arg1 : i32
    %mul3A_1 = arith.constant 640 : i32
    %mul3A_2 = arith.muli %arg1, %mul3A_1 : i32
    %mul3A_3 = arith.constant 640 : i32
    %mul3A_4 = arith.muli %arg1, %mul3A_3 : i32
    "tpu.region"() ({
      %run_scoped3A = tpu.sem_alloc : memref<!tpu.dma_semaphore, #tpu.memory_space<semaphore_mem>>
      %dma_start3A = arith.constant 0 : i32
      %dma_start3A_15 = tpu.memref_slice %arg10[%mul3A_4, %dma_start3A] : memref<10240x128xf32, #tpu.memory_space<vmem_shared>> -> memref<640x128xf32, #tpu.memory_space<vmem_shared>>
      %dma_start3A_16 = arith.constant 0 : i32
      %dma_start3A_17 = tpu.memref_slice %arg5[%mul3A_2, %dma_start3A_16] : memref<10240x128xf32, #tpu.memory_space<hbm>> -> memref<640x128xf32, #tpu.memory_space<hbm>>
      tpu.enqueue_dma source(%dma_start3A_17 : memref<640x128xf32, #tpu.memory_space<hbm>>) target(%dma_start3A_15 : memref<640x128xf32, #tpu.memory_space<vmem_shared>>) target_semaphore(%run_scoped3A : memref<!tpu.dma_semaphore, #tpu.memory_space<semaphore_mem>>)
      %dma_wait3A = arith.constant 0 : i32
      %dma_wait3A_18 = tpu.memref_slice %arg10[%mul3A_4, %dma_wait3A] : memref<10240x128xf32, #tpu.memory_space<vmem_shared>> -> memref<640x128xf32, #tpu.memory_space<vmem_shared>>
      %dma_wait3A_19 = arith.constant 0 : i32
      %dma_wait3A_20 = tpu.memref_slice %arg5[%mul3A_2, %dma_wait3A_19] : memref<10240x128xf32, #tpu.memory_space<hbm>> -> memref<640x128xf32, #tpu.memory_space<hbm>>
      tpu.wait_dma2 semaphore(%run_scoped3A : memref<!tpu.dma_semaphore, #tpu.memory_space<semaphore_mem>>) src(%dma_wait3A_20 : memref<640x128xf32, #tpu.memory_space<hbm>>) dst(%dma_wait3A_18 : memref<640x128xf32, #tpu.memory_space<vmem_shared>>)
      tpu.yield
    }) : () -> ()
    "tpu.region"() ({
      %run_scoped3A = tpu.sem_alloc : memref<!tpu.dma_semaphore, #tpu.memory_space<semaphore_mem>>
      %dma_start3A = arith.constant 0 : i32
      %dma_start3A_15 = arith.constant 0 : i32
      %dma_start3A_16 = tpu.memref_slice %arg3[%add3A, %dma_start3A, %dma_start3A_15] : memref<32x100x100xi32, #tpu.memory_space<hbm>> -> memref<1x100x100xi32, #tpu.memory_space<hbm>>
      %dma_start3A_17 = tpu.memref_squeeze %dma_start3A_16 : memref<1x100x100xi32, #tpu.memory_space<hbm>> -> memref<100x100xi32, #tpu.memory_space<hbm>>
      %dma_start3A_18 = arith.constant 0 : i32
      %dma_start3A_19 = arith.constant 0 : i32
      %dma_start3A_20 = tpu.memref_slice %arg3[%add3A, %dma_start3A_18, %dma_start3A_19] : memref<32x100x100xi32, #tpu.memory_space<hbm>> -> memref<1x100x100xi32, #tpu.memory_space<hbm>>
      %dma_start3A_21 = tpu.memref_squeeze %dma_start3A_20 : memref<1x100x100xi32, #tpu.memory_space<hbm>> -> memref<100x100xi32, #tpu.memory_space<hbm>>
      tpu.enqueue_dma source(%dma_start3A_21 : memref<100x100xi32, #tpu.memory_space<hbm>>) target(%arg7 : memref<100x100xi32, #tpu.memory_space<vmem>>) target_semaphore(%run_scoped3A : memref<!tpu.dma_semaphore, #tpu.memory_space<semaphore_mem>>)
      %dma_wait3A = arith.constant 0 : i32
      %dma_wait3A_22 = arith.constant 0 : i32
      %dma_wait3A_23 = tpu.memref_slice %arg3[%add3A, %dma_wait3A, %dma_wait3A_22] : memref<32x100x100xi32, #tpu.memory_space<hbm>> -> memref<1x100x100xi32, #tpu.memory_space<hbm>>
      %dma_wait3A_24 = tpu.memref_squeeze %dma_wait3A_23 : memref<1x100x100xi32, #tpu.memory_space<hbm>> -> memref<100x100xi32, #tpu.memory_space<hbm>>
      %dma_wait3A_25 = arith.constant 0 : i32
      %dma_wait3A_26 = arith.constant 0 : i32
      %dma_wait3A_27 = tpu.memref_slice %arg3[%add3A, %dma_wait3A_25, %dma_wait3A_26] : memref<32x100x100xi32, #tpu.memory_space<hbm>> -> memref<1x100x100xi32, #tpu.memory_space<hbm>>
      %dma_wait3A_28 = tpu.memref_squeeze %dma_wait3A_27 : memref<1x100x100xi32, #tpu.memory_space<hbm>> -> memref<100x100xi32, #tpu.memory_space<hbm>>
      tpu.wait_dma2 semaphore(%run_scoped3A : memref<!tpu.dma_semaphore, #tpu.memory_space<semaphore_mem>>) src(%dma_wait3A_28 : memref<100x100xi32, #tpu.memory_space<hbm>>) dst(%arg7 : memref<100x100xi32, #tpu.memory_space<vmem>>)
      tpu.yield
    }) : () -> ()
    "tpu.region"() ({
      %run_scoped3A = tpu.sem_alloc : memref<!tpu.dma_semaphore, #tpu.memory_space<semaphore_mem>>
      %dma_start3A = arith.constant 0 : i32
      %dma_start3A_15 = arith.constant 0 : i32
      %dma_start3A_16 = tpu.memref_slice %arg4[%add3A, %dma_start3A, %dma_start3A_15] : memref<32x100x100xi32, #tpu.memory_space<hbm>> -> memref<1x100x100xi32, #tpu.memory_space<hbm>>
      %dma_start3A_17 = tpu.memref_squeeze %dma_start3A_16 : memref<1x100x100xi32, #tpu.memory_space<hbm>> -> memref<100x100xi32, #tpu.memory_space<hbm>>
      %dma_start3A_18 = arith.constant 0 : i32
      %dma_start3A_19 = arith.constant 0 : i32
      %dma_start3A_20 = tpu.memref_slice %arg4[%add3A, %dma_start3A_18, %dma_start3A_19] : memref<32x100x100xi32, #tpu.memory_space<hbm>> -> memref<1x100x100xi32, #tpu.memory_space<hbm>>
      %dma_start3A_21 = tpu.memref_squeeze %dma_start3A_20 : memref<1x100x100xi32, #tpu.memory_space<hbm>> -> memref<100x100xi32, #tpu.memory_space<hbm>>
      tpu.enqueue_dma source(%dma_start3A_21 : memref<100x100xi32, #tpu.memory_space<hbm>>) target(%arg8 : memref<100x100xi32, #tpu.memory_space<vmem>>) target_semaphore(%run_scoped3A : memref<!tpu.dma_semaphore, #tpu.memory_space<semaphore_mem>>)
      %dma_wait3A = arith.constant 0 : i32
      %dma_wait3A_22 = arith.constant 0 : i32
      %dma_wait3A_23 = tpu.memref_slice %arg4[%add3A, %dma_wait3A, %dma_wait3A_22] : memref<32x100x100xi32, #tpu.memory_space<hbm>> -> memref<1x100x100xi32, #tpu.memory_space<hbm>>
      %dma_wait3A_24 = tpu.memref_squeeze %dma_wait3A_23 : memref<1x100x100xi32, #tpu.memory_space<hbm>> -> memref<100x100xi32, #tpu.memory_space<hbm>>
      %dma_wait3A_25 = arith.constant 0 : i32
      %dma_wait3A_26 = arith.constant 0 : i32
      %dma_wait3A_27 = tpu.memref_slice %arg4[%add3A, %dma_wait3A_25, %dma_wait3A_26] : memref<32x100x100xi32, #tpu.memory_space<hbm>> -> memref<1x100x100xi32, #tpu.memory_space<hbm>>
      %dma_wait3A_28 = tpu.memref_squeeze %dma_wait3A_27 : memref<1x100x100xi32, #tpu.memory_space<hbm>> -> memref<100x100xi32, #tpu.memory_space<hbm>>
      tpu.wait_dma2 semaphore(%run_scoped3A : memref<!tpu.dma_semaphore, #tpu.memory_space<semaphore_mem>>) src(%dma_wait3A_28 : memref<100x100xi32, #tpu.memory_space<hbm>>) dst(%arg8 : memref<100x100xi32, #tpu.memory_space<vmem>>)
      tpu.yield
    }) : () -> ()
    %barrier3A = arith.constant 0 : index
    tpu.barrier barrier_id(%barrier3A)
    %scan3A = arith.constant 0 : i32
    %scan3A_5 = arith.constant 0 : i32
    %scan3A_6 = arith.constant 100 : i32
    %scan3A_7 = arith.addi %scan3A_5, %scan3A_6 : i32
    %scan3A_8 = arith.constant 1 : i32
    scf.for %scan3A_15 = %scan3A_5 to %scan3A_7 step %scan3A_8  : i32 {
      %dma_start3A = arith.constant 0 : i32
      %dma_start3A_16 = tpu.memref_slice %arg7[%scan3A_15, %dma_start3A] : memref<100x100xi32, #tpu.memory_space<vmem>> -> memref<1x100xi32, #tpu.memory_space<vmem>>
      %dma_start3A_17 = tpu.memref_squeeze %dma_start3A_16 : memref<1x100xi32, #tpu.memory_space<vmem>> -> memref<100xi32, #tpu.memory_space<vmem>>
      %dma_start3A_18 = arith.constant 0 : i32
      %dma_start3A_19 = arith.constant 0 : i32
      %dma_start3A_20 = tpu.memref_slice %arg2[%dma_start3A_18, %dma_start3A_19] : memref<10000x128xf32, #tpu.memory_space<hbm>> -> memref<10000x128xf32, #tpu.memory_space<hbm>>
      tpu.enqueue_indirect_dma source(%dma_start3A_20 : memref<10000x128xf32, #tpu.memory_space<hbm>>) target(%arg9 : memref<100x128xf32, #tpu.memory_space<vmem>>) offsets(%dma_start3A_17 : memref<100xi32, #tpu.memory_space<vmem>>) semaphore(%arg11 : memref<!tpu.dma_semaphore, #tpu.memory_space<semaphore_mem>>)
      %dma_wait3A = arith.constant 0 : i32
      %dma_wait3A_21 = tpu.memref_slice %arg7[%scan3A_15, %dma_wait3A] : memref<100x100xi32, #tpu.memory_space<vmem>> -> memref<1x100xi32, #tpu.memory_space<vmem>>
      %dma_wait3A_22 = tpu.memref_squeeze %dma_wait3A_21 : memref<1x100xi32, #tpu.memory_space<vmem>> -> memref<100xi32, #tpu.memory_space<vmem>>
      %dma_wait3A_23 = arith.constant 0 : i32
      %dma_wait3A_24 = arith.constant 0 : i32
      %dma_wait3A_25 = tpu.memref_slice %arg2[%dma_wait3A_23, %dma_wait3A_24] : memref<10000x128xf32, #tpu.memory_space<hbm>> -> memref<10000x128xf32, #tpu.memory_space<hbm>>
      tpu.wait_indirect_dma semaphore(%arg11 : memref<!tpu.dma_semaphore, #tpu.memory_space<semaphore_mem>>) src(%dma_wait3A_25 : memref<10000x128xf32, #tpu.memory_space<hbm>>) dst(%arg9 : memref<100x128xf32, #tpu.memory_space<vmem>>)
      "tpu.region"() ({
        %run_scoped3A = tpu.sem_alloc : memref<!tpu.dma_semaphore, #tpu.memory_space<semaphore_mem>>
        %dma_start3A_26 = arith.constant 0 : i32
        %dma_start3A_27 = tpu.memref_slice %arg8[%scan3A_15, %dma_start3A_26] : memref<100x100xi32, #tpu.memory_space<vmem>> -> memref<1x100xi32, #tpu.memory_space<vmem>>
        %dma_start3A_28 = tpu.memref_squeeze %dma_start3A_27 : memref<1x100xi32, #tpu.memory_space<vmem>> -> memref<100xi32, #tpu.memory_space<vmem>>
        %dma_start3A_29 = arith.constant 0 : i32
        %dma_start3A_30 = arith.constant 0 : i32
        %dma_start3A_31 = tpu.memref_slice %arg10[%dma_start3A_29, %dma_start3A_30] : memref<10240x128xf32, #tpu.memory_space<vmem_shared>> -> memref<10240x128xf32, #tpu.memory_space<vmem_shared>>
        tpu.enqueue_indirect_dma source(%arg9 : memref<100x128xf32, #tpu.memory_space<vmem>>) target(%dma_start3A_31 : memref<10240x128xf32, #tpu.memory_space<vmem_shared>>) offsets(%dma_start3A_28 : memref<100xi32, #tpu.memory_space<vmem>>) semaphore(%run_scoped3A : memref<!tpu.dma_semaphore, #tpu.memory_space<semaphore_mem>>) {add = true}
        %dma_wait3A_32 = arith.constant 0 : i32
        %dma_wait3A_33 = tpu.memref_slice %arg8[%scan3A_15, %dma_wait3A_32] : memref<100x100xi32, #tpu.memory_space<vmem>> -> memref<1x100xi32, #tpu.memory_space<vmem>>
        %dma_wait3A_34 = tpu.memref_squeeze %dma_wait3A_33 : memref<1x100xi32, #tpu.memory_space<vmem>> -> memref<100xi32, #tpu.memory_space<vmem>>
        %dma_wait3A_35 = arith.constant 0 : i32
        %dma_wait3A_36 = arith.constant 0 : i32
        %dma_wait3A_37 = tpu.memref_slice %arg10[%dma_wait3A_35, %dma_wait3A_36] : memref<10240x128xf32, #tpu.memory_space<vmem_shared>> -> memref<10240x128xf32, #tpu.memory_space<vmem_shared>>
        tpu.wait_indirect_dma semaphore(%run_scoped3A : memref<!tpu.dma_semaphore, #tpu.memory_space<semaphore_mem>>) src(%arg9 : memref<100x128xf32, #tpu.memory_space<vmem>>) dst(%dma_wait3A_37 : memref<10240x128xf32, #tpu.memory_space<vmem_shared>>)
        tpu.yield
      }) : () -> ()
    }
    %scan3A_9 = arith.constant 100 : i32
    %barrier3A_10 = arith.constant 0 : index
    tpu.barrier barrier_id(%barrier3A_10)
    %mul3A_11 = arith.constant 640 : i32
    %mul3A_12 = arith.muli %arg1, %mul3A_11 : i32
    %mul3A_13 = arith.constant 640 : i32
    %mul3A_14 = arith.muli %arg1, %mul3A_13 : i32
    "tpu.region"() ({
      %run_scoped3A = tpu.sem_alloc : memref<!tpu.dma_semaphore, #tpu.memory_space<semaphore_mem>>
      %dma_start3A = arith.constant 0 : i32
      %dma_start3A_15 = tpu.memref_slice %arg6[%arg0, %mul3A_14, %dma_start3A] : memref<2x10240x128xf32, #tpu.memory_space<hbm>> -> memref<1x640x128xf32, #tpu.memory_space<hbm>>
      %dma_start3A_16 = tpu.memref_squeeze %dma_start3A_15 : memref<1x640x128xf32, #tpu.memory_space<hbm>> -> memref<640x128xf32, #tpu.memory_space<hbm>>
      %dma_start3A_17 = arith.constant 0 : i32
      %dma_start3A_18 = tpu.memref_slice %arg10[%mul3A_12, %dma_start3A_17] : memref<10240x128xf32, #tpu.memory_space<vmem_shared>> -> memref<640x128xf32, #tpu.memory_space<vmem_shared>>
      tpu.enqueue_dma source(%dma_start3A_18 : memref<640x128xf32, #tpu.memory_space<vmem_shared>>) target(%dma_start3A_16 : memref<640x128xf32, #tpu.memory_space<hbm>>) target_semaphore(%run_scoped3A : memref<!tpu.dma_semaphore, #tpu.memory_space<semaphore_mem>>)
      %dma_wait3A = arith.constant 0 : i32
      %dma_wait3A_19 = tpu.memref_slice %arg6[%arg0, %mul3A_14, %dma_wait3A] : memref<2x10240x128xf32, #tpu.memory_space<hbm>> -> memref<1x640x128xf32, #tpu.memory_space<hbm>>
      %dma_wait3A_20 = tpu.memref_squeeze %dma_wait3A_19 : memref<1x640x128xf32, #tpu.memory_space<hbm>> -> memref<640x128xf32, #tpu.memory_space<hbm>>
      %dma_wait3A_21 = arith.constant 0 : i32
      %dma_wait3A_22 = tpu.memref_slice %arg10[%mul3A_12, %dma_wait3A_21] : memref<10240x128xf32, #tpu.memory_space<vmem_shared>> -> memref<640x128xf32, #tpu.memory_space<vmem_shared>>
      tpu.wait_dma2 semaphore(%run_scoped3A : memref<!tpu.dma_semaphore, #tpu.memory_space<semaphore_mem>>) src(%dma_wait3A_22 : memref<640x128xf32, #tpu.memory_space<vmem_shared>>) dst(%dma_wait3A_20 : memref<640x128xf32, #tpu.memory_space<hbm>>)
      tpu.yield
    }) : () -> ()
    return
  }
}

module attributes {stable_mosaic.version = 14 : i64} {
  func.func @body(%arg0: i32, %arg1: memref<2000x128xf32, #tpu.memory_space<vmem>>, %arg2: memref<128x128xf32, #tpu.memory_space<vmem>>, %arg3: memref<2000x128xf32, #tpu.memory_space<vmem>>) attributes {dimension_semantics = [#tpu.dimension_semantics<arbitrary>], iteration_bounds = array<i64: 5>, scalar_prefetch = 0 : i64, scratch_operands = 0 : i64, tpu.core_type = #tpu.core_type<tc>, window_params = [{transform_indices = @transform_0, window_bounds = array<i64: 2000, 128>}, {pipeline_mode = #tpu.pipeline_mode<synchronous>, transform_indices = @transform_1, window_bounds = array<i64: 128, 128>}, {transform_indices = @transform_2, window_bounds = array<i64: 2000, 128>}]} {
    %get3A = arith.constant 0 : index
    %get3A_0 = arith.constant 0 : index
    %get3A_1 = vector.load %arg1[%get3A, %get3A_0] : memref<2000x128xf32, #tpu.memory_space<vmem>>, vector<2000x128xf32>
    %get3A_2 = arith.constant 0 : index
    %get3A_3 = arith.constant 0 : index
    %get3A_4 = vector.load %arg2[%get3A_2, %get3A_3] : memref<128x128xf32, #tpu.memory_space<vmem>>, vector<128x128xf32>
    %dot_general3A = arith.constant dense<0.000000e+00> : vector<2000x128xf32>
    %dot_general3A_5 = tpu.matmul %get3A_1, %get3A_4, %dot_general3A {dimension_numbers = #tpu.dot_dimension_numbers<[1], [0], [0], [1], [0, 0, 1, 1], [], []>, transpose_lhs_hint = false} : vector<2000x128xf32>, vector<128x128xf32>, vector<2000x128xf32> -> vector<2000x128xf32>
    %swap3A = arith.constant 0 : index
    %swap3A_6 = arith.constant 0 : index
    %swap3A_7 = vector.load %arg3[%swap3A, %swap3A_6] : memref<2000x128xf32, #tpu.memory_space<vmem>>, vector<2000x128xf32>
    tpu.vector_store %arg3[%swap3A, %swap3A_6], %dot_general3A_5 {strides = array<i32>} : memref<2000x128xf32, #tpu.memory_space<vmem>>, vector<2000x128xf32>,
    return
  }
  func.func @transform_0(%arg0: i32) -> (i32, i32) {
    %c0_i32 = arith.constant 0 : i32
    %c0_i32_0 = arith.constant 0 : i32
    return %arg0, %c0_i32 : i32, i32
  }
  func.func @transform_1(%arg0: i32) -> (i32, i32) {
    %c0_i32 = arith.constant 0 : i32
    %c0_i32_0 = arith.constant 0 : i32
    %c0_i32_1 = arith.constant 0 : i32
    return %c0_i32, %c0_i32_0 : i32, i32
  }
  func.func @transform_2(%arg0: i32) -> (i32, i32) {
    %c0_i32 = arith.constant 0 : i32
    %c0_i32_0 = arith.constant 0 : i32
    return %arg0, %c0_i32 : i32, i32
  }
}

module attributes {stable_mosaic.version = 14 : i64} {
  func.func @body(%arg0: i32, %arg1: memref<2000x128xf32, #tpu.memory_space<vmem>>, %arg2: memref<2000x2xf32, #tpu.memory_space<vmem>>, %arg3: memref<2000x128xf32, #tpu.memory_space<vmem>>, %arg4: memref<2000x1xf32, #tpu.memory_space<vmem>>) attributes {dimension_semantics = [#tpu.dimension_semantics<arbitrary>], iteration_bounds = array<i64: 5>, scalar_prefetch = 0 : i64, scratch_operands = 0 : i64, tpu.core_type = #tpu.core_type<tc>, window_params = [{transform_indices = @transform_0, window_bounds = array<i64: 2000, 128>}, {transform_indices = @transform_1, window_bounds = array<i64: 2000, 2>}, {transform_indices = @transform_2, window_bounds = array<i64: 2000, 128>}, {transform_indices = @transform_3, window_bounds = array<i64: 2000, 1>}]} {
    %get3A = arith.constant 0 : index
    %get3A_0 = arith.constant 0 : index
    %get3A_1 = vector.load %arg2[%get3A, %get3A_0] : memref<2000x2xf32, #tpu.memory_space<vmem>>, vector<2000x1xf32>
    %add3A = arith.constant 1.000000e+00 : f32
    %add3A_2 = vector.broadcast %add3A : f32 to vector<2000x1xf32>
    %add3A_3 = arith.addf %add3A_2, %get3A_1 : vector<2000x1xf32>
    %get3A_4 = arith.constant 0 : index
    %get3A_5 = arith.constant 1 : index
    %get3A_6 = vector.load %arg2[%get3A_4, %get3A_5] : memref<2000x2xf32, #tpu.memory_space<vmem>>, vector<2000x1xf32>
    %add3A_7 = arith.addf %add3A_3, %get3A_6 : vector<2000x1xf32>
    %rsqrt3A = math.rsqrt %add3A_7 : vector<2000x1xf32>
    %get3A_8 = arith.constant 0 : index
    %get3A_9 = arith.constant 0 : index
    %get3A_10 = vector.load %arg1[%get3A_8, %get3A_9] : memref<2000x128xf32, #tpu.memory_space<vmem>>, vector<2000x128xf32>
    %mul3A = vector.broadcast %rsqrt3A : vector<2000x1xf32> to vector<2000x128xf32>
    %mul3A_11 = arith.mulf %mul3A, %get3A_10 : vector<2000x128xf32>
    %swap3A = arith.constant 0 : index
    %swap3A_12 = arith.constant 0 : index
    %swap3A_13 = vector.load %arg3[%swap3A, %swap3A_12] : memref<2000x128xf32, #tpu.memory_space<vmem>>, vector<2000x128xf32>
    tpu.vector_store %arg3[%swap3A, %swap3A_12], %mul3A_11 {strides = array<i32>} : memref<2000x128xf32, #tpu.memory_space<vmem>>, vector<2000x128xf32>,
    %swap3A_14 = arith.constant 0 : index
    %swap3A_15 = arith.constant 0 : index
    %swap3A_16 = vector.load %arg4[%swap3A_14, %swap3A_15] : memref<2000x1xf32, #tpu.memory_space<vmem>>, vector<2000x1xf32>
    tpu.vector_store %arg4[%swap3A_14, %swap3A_15], %rsqrt3A {strides = array<i32>} : memref<2000x1xf32, #tpu.memory_space<vmem>>, vector<2000x1xf32>,
    return
  }
  func.func @transform_0(%arg0: i32) -> (i32, i32) {
    %c0_i32 = arith.constant 0 : i32
    %c0_i32_0 = arith.constant 0 : i32
    return %arg0, %c0_i32 : i32, i32
  }
  func.func @transform_1(%arg0: i32) -> (i32, i32) {
    %c0_i32 = arith.constant 0 : i32
    %c0_i32_0 = arith.constant 0 : i32
    return %arg0, %c0_i32 : i32, i32
  }
  func.func @transform_2(%arg0: i32) -> (i32, i32) {
    %c0_i32 = arith.constant 0 : i32
    %c0_i32_0 = arith.constant 0 : i32
    return %arg0, %c0_i32 : i32, i32
  }
  func.func @transform_3(%arg0: i32) -> (i32, i32) {
    %c0_i32 = arith.constant 0 : i32
    %c0_i32_0 = arith.constant 0 : i32
    return %arg0, %c0_i32 : i32, i32
  }
}

module attributes {stable_mosaic.version = 14 : i64} {
  func.func @body(%arg0: i32, %arg1: memref<2x2000x128xf32, #tpu.memory_space<vmem>>, %arg2: memref<2000x128xf32, #tpu.memory_space<vmem>>, %arg3: memref<2000x1xf32, #tpu.memory_space<vmem>>, %arg4: memref<1x128xf32, #tpu.memory_space<vmem>>, %arg5: memref<128x128xf32, #tpu.memory_space<vmem>>, %arg6: memref<2000x128xf32, #tpu.memory_space<vmem>>) attributes {dimension_semantics = [#tpu.dimension_semantics<arbitrary>], iteration_bounds = array<i64: 5>, scalar_prefetch = 0 : i64, scratch_operands = 0 : i64, tpu.core_type = #tpu.core_type<tc>, window_params = [{transform_indices = @transform_0, window_bounds = array<i64: 2, 2000, 128>}, {transform_indices = @transform_1, window_bounds = array<i64: 2000, 128>}, {transform_indices = @transform_2, window_bounds = array<i64: 2000, 1>}, {pipeline_mode = #tpu.pipeline_mode<synchronous>, transform_indices = @transform_3, window_bounds = array<i64: 1, 128>}, {pipeline_mode = #tpu.pipeline_mode<synchronous>, transform_indices = @transform_4, window_bounds = array<i64: 128, 128>}, {transform_indices = @transform_5, window_bounds = array<i64: 2000, 128>}]} {
    %get3A = arith.constant 0 : index
    %get3A_0 = arith.constant 0 : index
    %get3A_1 = arith.constant 0 : index
    %get3A_2 = vector.load %arg1[%get3A, %get3A_0, %get3A_1] : memref<2x2000x128xf32, #tpu.memory_space<vmem>>, vector<1x2000x128xf32>
    %get3A_3 = vector.shape_cast %get3A_2 : vector<1x2000x128xf32> to vector<2000x128xf32>
    %get3A_4 = arith.constant 1 : index
    %get3A_5 = arith.constant 0 : index
    %get3A_6 = arith.constant 0 : index
    %get3A_7 = vector.load %arg1[%get3A_4, %get3A_5, %get3A_6] : memref<2x2000x128xf32, #tpu.memory_space<vmem>>, vector<1x2000x128xf32>
    %get3A_8 = vector.shape_cast %get3A_7 : vector<1x2000x128xf32> to vector<2000x128xf32>
    %add3A = arith.addf %get3A_3, %get3A_8 : vector<2000x128xf32>
    %get3A_9 = arith.constant 0 : index
    %get3A_10 = arith.constant 0 : index
    %get3A_11 = vector.load %arg2[%get3A_9, %get3A_10] : memref<2000x128xf32, #tpu.memory_space<vmem>>, vector<2000x128xf32>
    %add3A_12 = arith.addf %add3A, %get3A_11 : vector<2000x128xf32>
    %get3A_13 = arith.constant 0 : index
    %get3A_14 = arith.constant 0 : index
    %get3A_15 = vector.load %arg3[%get3A_13, %get3A_14] : memref<2000x1xf32, #tpu.memory_space<vmem>>, vector<2000x1xf32>
    %mul3A = vector.broadcast %get3A_15 : vector<2000x1xf32> to vector<2000x128xf32>
    %mul3A_16 = arith.mulf %mul3A, %add3A_12 : vector<2000x128xf32>
    %get3A_17 = arith.constant 0 : index
    %get3A_18 = arith.constant 0 : index
    %get3A_19 = vector.load %arg4[%get3A_17, %get3A_18] : memref<1x128xf32, #tpu.memory_space<vmem>>, vector<1x128xf32>
    %add3A_20 = vector.broadcast %get3A_19 : vector<1x128xf32> to vector<2000x128xf32>
    %add3A_21 = arith.addf %mul3A_16, %add3A_20 : vector<2000x128xf32>
    %max3A = arith.constant 0.000000e+00 : f32
    %max3A_22 = vector.broadcast %max3A : f32 to vector<2000x128xf32>
    %max3A_23 = arith.maximumf %add3A_21, %max3A_22 : vector<2000x128xf32>
    %get3A_24 = arith.constant 0 : index
    %get3A_25 = arith.constant 0 : index
    %get3A_26 = vector.load %arg3[%get3A_24, %get3A_25] : memref<2000x1xf32, #tpu.memory_space<vmem>>, vector<2000x1xf32>
    %get3A_27 = arith.constant 0 : index
    %get3A_28 = arith.constant 0 : index
    %get3A_29 = vector.load %arg5[%get3A_27, %get3A_28] : memref<128x128xf32, #tpu.memory_space<vmem>>, vector<128x128xf32>
    %dot_general3A = arith.constant dense<0.000000e+00> : vector<2000x128xf32>
    %dot_general3A_30 = tpu.matmul %max3A_23, %get3A_29, %dot_general3A {dimension_numbers = #tpu.dot_dimension_numbers<[1], [0], [0], [1], [0, 0, 1, 1], [], []>, transpose_lhs_hint = false} : vector<2000x128xf32>, vector<128x128xf32>, vector<2000x128xf32> -> vector<2000x128xf32>
    %mul3A_31 = vector.broadcast %get3A_26 : vector<2000x1xf32> to vector<2000x128xf32>
    %mul3A_32 = arith.mulf %mul3A_31, %dot_general3A_30 : vector<2000x128xf32>
    %swap3A = arith.constant 0 : index
    %swap3A_33 = arith.constant 0 : index
    %swap3A_34 = vector.load %arg6[%swap3A, %swap3A_33] : memref<2000x128xf32, #tpu.memory_space<vmem>>, vector<2000x128xf32>
    tpu.vector_store %arg6[%swap3A, %swap3A_33], %mul3A_32 {strides = array<i32>} : memref<2000x128xf32, #tpu.memory_space<vmem>>, vector<2000x128xf32>,
    return
  }
  func.func @transform_0(%arg0: i32) -> (i32, i32, i32) {
    %c0_i32 = arith.constant 0 : i32
    %c0_i32_0 = arith.constant 0 : i32
    %c0_i32_1 = arith.constant 0 : i32
    return %c0_i32, %arg0, %c0_i32_0 : i32, i32, i32
  }
  func.func @transform_1(%arg0: i32) -> (i32, i32) {
    %c0_i32 = arith.constant 0 : i32
    %c0_i32_0 = arith.constant 0 : i32
    return %arg0, %c0_i32 : i32, i32
  }
  func.func @transform_2(%arg0: i32) -> (i32, i32) {
    %c0_i32 = arith.constant 0 : i32
    %c0_i32_0 = arith.constant 0 : i32
    return %arg0, %c0_i32 : i32, i32
  }
  func.func @transform_3(%arg0: i32) -> (i32, i32) {
    %c0_i32 = arith.constant 0 : i32
    %c0_i32_0 = arith.constant 0 : i32
    %c0_i32_1 = arith.constant 0 : i32
    return %c0_i32, %c0_i32_0 : i32, i32
  }
  func.func @transform_4(%arg0: i32) -> (i32, i32) {
    %c0_i32 = arith.constant 0 : i32
    %c0_i32_0 = arith.constant 0 : i32
    %c0_i32_1 = arith.constant 0 : i32
    return %c0_i32, %c0_i32_0 : i32, i32
  }
  func.func @transform_5(%arg0: i32) -> (i32, i32) {
    %c0_i32 = arith.constant 0 : i32
    %c0_i32_0 = arith.constant 0 : i32
    return %arg0, %c0_i32 : i32, i32
  }
}

module attributes {stable_mosaic.version = 14 : i64} {
  func.func @body(%arg0: i32, %arg1: memref<2x2000x128xf32, #tpu.memory_space<vmem>>, %arg2: memref<2000x128xf32, #tpu.memory_space<vmem>>, %arg3: memref<2000x1xf32, #tpu.memory_space<vmem>>, %arg4: memref<1x128xf32, #tpu.memory_space<vmem>>, %arg5: memref<2000x1xf32, #tpu.memory_space<vmem>>, %arg6: memref<128x64xf32, #tpu.memory_space<vmem>>, %arg7: memref<1x64xf32, #tpu.memory_space<vmem>>, %arg8: memref<64x40xf32, #tpu.memory_space<vmem>>, %arg9: memref<1x40xf32, #tpu.memory_space<vmem>>, %arg10: memref<64x40xf32, #tpu.memory_space<vmem>>, %arg11: memref<64x128xf32, #tpu.memory_space<vmem>>, %arg12: memref<64x1xf32, #tpu.memory_space<vmem>>) attributes {dimension_semantics = [#tpu.dimension_semantics<arbitrary>], iteration_bounds = array<i64: 5>, scalar_prefetch = 0 : i64, scratch_operands = 2 : i64, tpu.core_type = #tpu.core_type<tc>, window_params = [{transform_indices = @transform_0, window_bounds = array<i64: 2, 2000, 128>}, {transform_indices = @transform_1, window_bounds = array<i64: 2000, 128>}, {transform_indices = @transform_2, window_bounds = array<i64: 2000, 1>}, {pipeline_mode = #tpu.pipeline_mode<synchronous>, transform_indices = @transform_3, window_bounds = array<i64: 1, 128>}, {transform_indices = @transform_4, window_bounds = array<i64: 2000, 1>}, {pipeline_mode = #tpu.pipeline_mode<synchronous>, transform_indices = @transform_5, window_bounds = array<i64: 128, 64>}, {pipeline_mode = #tpu.pipeline_mode<synchronous>, transform_indices = @transform_6, window_bounds = array<i64: 1, 64>}, {pipeline_mode = #tpu.pipeline_mode<synchronous>, transform_indices = @transform_7, window_bounds = array<i64: 64, 40>}, {pipeline_mode = #tpu.pipeline_mode<synchronous>, transform_indices = @transform_8, window_bounds = array<i64: 1, 40>}, {pipeline_mode = #tpu.pipeline_mode<synchronous>, transform_indices = @transform_9, window_bounds = array<i64: 64, 40>}]} {
    %eq3A = arith.constant 0 : i32
    %eq3A_0 = arith.cmpi eq, %arg0, %eq3A : i32
    %convert_element_type3A = arith.extui %eq3A_0 : i1 to i32
    %cond3A = arith.constant 0 : i32
    %cond3A_1 = arith.cmpi ne, %convert_element_type3A, %cond3A : i32
    scf.if %cond3A_1 {
      %broadcast_in_dim3A_56 = arith.constant 0.000000e+00 : f32
      %broadcast_in_dim3A_57 = vector.broadcast %broadcast_in_dim3A_56 : f32 to vector<64x128xf32>
      %swap3A_58 = arith.constant 0 : index
      %swap3A_59 = arith.constant 0 : index
      %swap3A_60 = vector.load %arg11[%swap3A_58, %swap3A_59] : memref<64x128xf32, #tpu.memory_space<vmem>>, vector<64x128xf32>
      tpu.vector_store %arg11[%swap3A_58, %swap3A_59], %broadcast_in_dim3A_57 {strides = array<i32>} : memref<64x128xf32, #tpu.memory_space<vmem>>, vector<64x128xf32>,
      %broadcast_in_dim3A_61 = arith.constant 0.000000e+00 : f32
      %broadcast_in_dim3A_62 = vector.broadcast %broadcast_in_dim3A_61 : f32 to vector<64x1xf32>
      %swap3A_63 = arith.constant 0 : index
      %swap3A_64 = arith.constant 0 : index
      %swap3A_65 = vector.load %arg12[%swap3A_63, %swap3A_64] : memref<64x1xf32, #tpu.memory_space<vmem>>, vector<64x1xf32>
      tpu.vector_store %arg12[%swap3A_63, %swap3A_64], %broadcast_in_dim3A_62 {strides = array<i32>} : memref<64x1xf32, #tpu.memory_space<vmem>>, vector<64x1xf32>,
    } else {
    }
    %get3A = arith.constant 0 : index
    %get3A_2 = arith.constant 0 : index
    %get3A_3 = arith.constant 0 : index
    %get3A_4 = vector.load %arg1[%get3A, %get3A_2, %get3A_3] : memref<2x2000x128xf32, #tpu.memory_space<vmem>>, vector<1x2000x128xf32>
    %get3A_5 = vector.shape_cast %get3A_4 : vector<1x2000x128xf32> to vector<2000x128xf32>
    %get3A_6 = arith.constant 1 : index
    %get3A_7 = arith.constant 0 : index
    %get3A_8 = arith.constant 0 : index
    %get3A_9 = vector.load %arg1[%get3A_6, %get3A_7, %get3A_8] : memref<2x2000x128xf32, #tpu.memory_space<vmem>>, vector<1x2000x128xf32>
    %get3A_10 = vector.shape_cast %get3A_9 : vector<1x2000x128xf32> to vector<2000x128xf32>
    %add3A = arith.addf %get3A_5, %get3A_10 : vector<2000x128xf32>
    %get3A_11 = arith.constant 0 : index
    %get3A_12 = arith.constant 0 : index
    %get3A_13 = vector.load %arg2[%get3A_11, %get3A_12] : memref<2000x128xf32, #tpu.memory_space<vmem>>, vector<2000x128xf32>
    %add3A_14 = arith.addf %add3A, %get3A_13 : vector<2000x128xf32>
    %get3A_15 = arith.constant 0 : index
    %get3A_16 = arith.constant 0 : index
    %get3A_17 = vector.load %arg3[%get3A_15, %get3A_16] : memref<2000x1xf32, #tpu.memory_space<vmem>>, vector<2000x1xf32>
    %mul3A = vector.broadcast %get3A_17 : vector<2000x1xf32> to vector<2000x128xf32>
    %mul3A_18 = arith.mulf %mul3A, %add3A_14 : vector<2000x128xf32>
    %get3A_19 = arith.constant 0 : index
    %get3A_20 = arith.constant 0 : index
    %get3A_21 = vector.load %arg4[%get3A_19, %get3A_20] : memref<1x128xf32, #tpu.memory_space<vmem>>, vector<1x128xf32>
    %add3A_22 = vector.broadcast %get3A_21 : vector<1x128xf32> to vector<2000x128xf32>
    %add3A_23 = arith.addf %mul3A_18, %add3A_22 : vector<2000x128xf32>
    %max3A = arith.constant 0.000000e+00 : f32
    %max3A_24 = vector.broadcast %max3A : f32 to vector<2000x128xf32>
    %max3A_25 = arith.maximumf %add3A_23, %max3A_24 : vector<2000x128xf32>
    %iota3A = tpu.iota {dimensions = array<i32: 1>} : vector<2000x64xi32>
    %convert_element_type3A_26 = arith.sitofp %iota3A : vector<2000x64xi32> to vector<2000x64xf32>
    %get3A_27 = arith.constant 0 : index
    %get3A_28 = arith.constant 0 : index
    %get3A_29 = vector.load %arg5[%get3A_27, %get3A_28] : memref<2000x1xf32, #tpu.memory_space<vmem>>, vector<2000x1xf32>
    %eq3A_30 = vector.broadcast %get3A_29 : vector<2000x1xf32> to vector<2000x64xf32>
    %eq3A_31 = arith.cmpf oeq, %eq3A_30, %convert_element_type3A_26 : vector<2000x64xf32>
    %convert_element_type3A_32 = arith.extui %eq3A_31 : vector<2000x64xi1> to vector<2000x64xi32>
    %convert_element_type3A_33 = arith.sitofp %convert_element_type3A_32 : vector<2000x64xi32> to vector<2000x64xf32>
    %get3A_34 = arith.constant 0 : index
    %get3A_35 = arith.constant 0 : index
    %get3A_36 = vector.load %arg11[%get3A_34, %get3A_35] : memref<64x128xf32, #tpu.memory_space<vmem>>, vector<64x128xf32>
    %dot_general3A = arith.constant dense<0.000000e+00> : vector<64x128xf32>
    %dot_general3A_37 = tpu.matmul %convert_element_type3A_33, %max3A_25, %dot_general3A {dimension_numbers = #tpu.dot_dimension_numbers<[0], [0], [1], [1], [0, 1, 1, 1], [], []>, transpose_lhs_hint = false} : vector<2000x64xf32>, vector<2000x128xf32>, vector<64x128xf32> -> vector<64x128xf32>
    %add3A_38 = arith.addf %get3A_36, %dot_general3A_37 : vector<64x128xf32>
    %swap3A = arith.constant 0 : index
    %swap3A_39 = arith.constant 0 : index
    %swap3A_40 = vector.load %arg11[%swap3A, %swap3A_39] : memref<64x128xf32, #tpu.memory_space<vmem>>, vector<64x128xf32>
    tpu.vector_store %arg11[%swap3A, %swap3A_39], %add3A_38 {strides = array<i32>} : memref<64x128xf32, #tpu.memory_space<vmem>>, vector<64x128xf32>,
    %get3A_41 = arith.constant 0 : index
    %get3A_42 = arith.constant 0 : index
    %get3A_43 = vector.load %arg12[%get3A_41, %get3A_42] : memref<64x1xf32, #tpu.memory_space<vmem>>, vector<64x1xf32>
    %broadcast_in_dim3A = arith.constant 1.000000e+00 : f32
    %broadcast_in_dim3A_44 = vector.broadcast %broadcast_in_dim3A : f32 to vector<2000x1xf32>
    %dot_general3A_45 = arith.constant dense<0.000000e+00> : vector<64x1xf32>
    %dot_general3A_46 = tpu.matmul %convert_element_type3A_33, %broadcast_in_dim3A_44, %dot_general3A_45 {dimension_numbers = #tpu.dot_dimension_numbers<[0], [0], [1], [1], [0, 1, 1, 1], [], []>, transpose_lhs_hint = false} : vector<2000x64xf32>, vector<2000x1xf32>, vector<64x1xf32> -> vector<64x1xf32>
    %add3A_47 = arith.addf %get3A_43, %dot_general3A_46 : vector<64x1xf32>
    %swap3A_48 = arith.constant 0 : index
    %swap3A_49 = arith.constant 0 : index
    %swap3A_50 = vector.load %arg12[%swap3A_48, %swap3A_49] : memref<64x1xf32, #tpu.memory_space<vmem>>, vector<64x1xf32>
    tpu.vector_store %arg12[%swap3A_48, %swap3A_49], %add3A_47 {strides = array<i32>} : memref<64x1xf32, #tpu.memory_space<vmem>>, vector<64x1xf32>,
    %eq3A_51 = arith.constant 4 : i32
    %eq3A_52 = arith.cmpi eq, %arg0, %eq3A_51 : i32
    %convert_element_type3A_53 = arith.extui %eq3A_52 : i1 to i32
    %cond3A_54 = arith.constant 0 : i32
    %cond3A_55 = arith.cmpi ne, %convert_element_type3A_53, %cond3A_54 : i32
    scf.if %cond3A_55 {
      %get3A_56 = arith.constant 0 : index
      %get3A_57 = arith.constant 0 : index
      %get3A_58 = vector.load %arg11[%get3A_56, %get3A_57] : memref<64x128xf32, #tpu.memory_space<vmem>>, vector<64x128xf32>
      %get3A_59 = arith.constant 0 : index
      %get3A_60 = arith.constant 0 : index
      %get3A_61 = vector.load %arg12[%get3A_59, %get3A_60] : memref<64x1xf32, #tpu.memory_space<vmem>>, vector<64x1xf32>
      %max3A_62 = arith.constant 1.000000e+00 : f32
      %max3A_63 = vector.broadcast %max3A_62 : f32 to vector<64x1xf32>
      %max3A_64 = arith.maximumf %get3A_61, %max3A_63 : vector<64x1xf32>
      %div3A = vector.broadcast %max3A_64 : vector<64x1xf32> to vector<64x128xf32>
      %div3A_65 = arith.divf %get3A_58, %div3A : vector<64x128xf32>
      %get3A_66 = arith.constant 0 : index
      %get3A_67 = arith.constant 0 : index
      %get3A_68 = vector.load %arg6[%get3A_66, %get3A_67] : memref<128x64xf32, #tpu.memory_space<vmem>>, vector<128x64xf32>
      %dot_general3A_69 = arith.constant dense<0.000000e+00> : vector<64x64xf32>
      %dot_general3A_70 = tpu.matmul %div3A_65, %get3A_68, %dot_general3A_69 {dimension_numbers = #tpu.dot_dimension_numbers<[1], [0], [0], [1], [0, 0, 1, 1], [], []>, transpose_lhs_hint = false} : vector<64x128xf32>, vector<128x64xf32>, vector<64x64xf32> -> vector<64x64xf32>
      %get3A_71 = arith.constant 0 : index
      %get3A_72 = arith.constant 0 : index
      %get3A_73 = vector.load %arg7[%get3A_71, %get3A_72] : memref<1x64xf32, #tpu.memory_space<vmem>>, vector<1x64xf32>
      %add3A_74 = vector.broadcast %get3A_73 : vector<1x64xf32> to vector<64x64xf32>
      %add3A_75 = arith.addf %dot_general3A_70, %add3A_74 : vector<64x64xf32>
      %max3A_76 = arith.constant 0.000000e+00 : f32
      %max3A_77 = vector.broadcast %max3A_76 : f32 to vector<64x64xf32>
      %max3A_78 = arith.maximumf %add3A_75, %max3A_77 : vector<64x64xf32>
      %get3A_79 = arith.constant 0 : index
      %get3A_80 = arith.constant 0 : index
      %get3A_81 = vector.load %arg8[%get3A_79, %get3A_80] : memref<64x40xf32, #tpu.memory_space<vmem>>, vector<64x40xf32>
      %dot_general3A_82 = arith.constant dense<0.000000e+00> : vector<64x40xf32>
      %dot_general3A_83 = tpu.matmul %max3A_78, %get3A_81, %dot_general3A_82 {dimension_numbers = #tpu.dot_dimension_numbers<[1], [0], [0], [1], [0, 0, 1, 1], [], []>, transpose_lhs_hint = false} : vector<64x64xf32>, vector<64x40xf32>, vector<64x40xf32> -> vector<64x40xf32>
      %get3A_84 = arith.constant 0 : index
      %get3A_85 = arith.constant 0 : index
      %get3A_86 = vector.load %arg9[%get3A_84, %get3A_85] : memref<1x40xf32, #tpu.memory_space<vmem>>, vector<1x40xf32>
      %add3A_87 = vector.broadcast %get3A_86 : vector<1x40xf32> to vector<64x40xf32>
      %add3A_88 = arith.addf %dot_general3A_83, %add3A_87 : vector<64x40xf32>
      %swap3A_89 = arith.constant 0 : index
      %swap3A_90 = arith.constant 0 : index
      %swap3A_91 = vector.load %arg10[%swap3A_89, %swap3A_90] : memref<64x40xf32, #tpu.memory_space<vmem>>, vector<64x40xf32>
      tpu.vector_store %arg10[%swap3A_89, %swap3A_90], %add3A_88 {strides = array<i32>} : memref<64x40xf32, #tpu.memory_space<vmem>>, vector<64x40xf32>,
    } else {
    }
    return
  }
  func.func @transform_0(%arg0: i32) -> (i32, i32, i32) {
    %c0_i32 = arith.constant 0 : i32
    %c0_i32_0 = arith.constant 0 : i32
    %c0_i32_1 = arith.constant 0 : i32
    return %c0_i32, %arg0, %c0_i32_0 : i32, i32, i32
  }
  func.func @transform_1(%arg0: i32) -> (i32, i32) {
    %c0_i32 = arith.constant 0 : i32
    %c0_i32_0 = arith.constant 0 : i32
    return %arg0, %c0_i32 : i32, i32
  }
  func.func @transform_2(%arg0: i32) -> (i32, i32) {
    %c0_i32 = arith.constant 0 : i32
    %c0_i32_0 = arith.constant 0 : i32
    return %arg0, %c0_i32 : i32, i32
  }
  func.func @transform_3(%arg0: i32) -> (i32, i32) {
    %c0_i32 = arith.constant 0 : i32
    %c0_i32_0 = arith.constant 0 : i32
    %c0_i32_1 = arith.constant 0 : i32
    return %c0_i32, %c0_i32_0 : i32, i32
  }
  func.func @transform_4(%arg0: i32) -> (i32, i32) {
    %c0_i32 = arith.constant 0 : i32
    %c0_i32_0 = arith.constant 0 : i32
    return %arg0, %c0_i32 : i32, i32
  }
  func.func @transform_5(%arg0: i32) -> (i32, i32) {
    %c0_i32 = arith.constant 0 : i32
    %c0_i32_0 = arith.constant 0 : i32
    %c0_i32_1 = arith.constant 0 : i32
    return %c0_i32, %c0_i32_0 : i32, i32
  }
  func.func @transform_6(%arg0: i32) -> (i32, i32) {
    %c0_i32 = arith.constant 0 : i32
    %c0_i32_0 = arith.constant 0 : i32
    %c0_i32_1 = arith.constant 0 : i32
    return %c0_i32, %c0_i32_0 : i32, i32
  }
  func.func @transform_7(%arg0: i32) -> (i32, i32) {
    %c0_i32 = arith.constant 0 : i32
    %c0_i32_0 = arith.constant 0 : i32
    %c0_i32_1 = arith.constant 0 : i32
    return %c0_i32, %c0_i32_0 : i32, i32
  }
  func.func @transform_8(%arg0: i32) -> (i32, i32) {
    %c0_i32 = arith.constant 0 : i32
    %c0_i32_0 = arith.constant 0 : i32
    %c0_i32_1 = arith.constant 0 : i32
    return %c0_i32, %c0_i32_0 : i32, i32
  }
  func.func @transform_9(%arg0: i32) -> (i32, i32) {
    %c0_i32 = arith.constant 0 : i32
    %c0_i32_0 = arith.constant 0 : i32
    %c0_i32_1 = arith.constant 0 : i32
    return %c0_i32, %c0_i32_0 : i32, i32
  }
}

</mosaic_0001>

<sc_bundles>
// kernel: kernel.12.cloned.1.call-start
scs
__scs_entry_jumppad:
0x0: {  	(pc) =	sbr.rel $0x88, $3  }
0x1: {  	(tag) =	ssettag $0x0;
	lr =	simm.s32 $0x1  }
0x2: {  	[smem:$0x3F96] =	sst lr;
	_ =	strace $0xD0000000  }
0x3: {  	_ = 	snop  }
0x4: {  	_ = 	snop  }
0x5: {  	_ = 	snop  }
0x6: {  	_ = 	snop  }
0x7: {  	_ = 	snop  }
__scs_overlays_trampoline_lowered:
0x8: {  	[smem:$0x3FA5] =	sst s0  }
0x9: {  	[smem:$0x3FA6] =	sst s1  }
0xa: {  	[smem:$0x3FA7] =	sst s2  }
0xb: {  	[smem:$0x3FA8] =	sst s3  }
0xc: {  	[smem:$0x3FA9] =	sst s4  }
0xd: {  	[smem:$0x3FAA] =	sst s5  }
0xe: {  	[smem:$0x3FAB] =	sst s6  }
0xf: {  	[smem:$0x3FAC] =	sst s7  }
0x10: {  	[smem:$0x3FAD] =	sst s8  }
0x11: {  	[smem:$0x3FAE] =	sst s9;
	s0 =	simm.s32 @!p0 $0x0  }
0x12: {  	s1 =	sld [smem:$0x3F94];
	s0 =	simm.s32 @p0 $0x1  }
0x13: {  	[smem:$0x3FAF] =	sst s0;
	s0 =	simm.s32 @!p1 $0x0  }
0x14: {  	s2 =	sld [smem:$0x3F93];
	s0 =	simm.s32 @p1 $0x1  }
0x15: {  	[smem:$0x3FB0] =	sst s0;
	s0 =	simm.s32 @!p2 $0x0  }
0x16: {  	s3 =	sld [smem:$0x3FDB];
	s0 =	simm.s32 @p2 $0x1  }
0x17: {  	s4 =	simm.s32 $0x1BF5;
	[smem:$0x3FB2] =	sst s0  }
0x18: {  	s0 =	sld [smem:$0x3F95];
	_ =	swait.ge [sflag:s4], $0x0  }
0x19: {  	s7 =	sld [smem:$0x3F96]  }
0x1a: {  	s8 =	sadd.s32 $0xFFFFE003, lr  }
0x1b: {  	s9 =	sadd.s32 $0xFFFFFEF7, lr;
	s5 =	simm.s32 $0xFFFFFFFF;
	p2 =	slt.u32 s8, $0xFFFFF086  }
0x1c: {  	p1 =	slt.u32 s9, $0xF7A;
	s5 =	simm.s32 @!p2 $0x0  }
0x1d: {  	s5 =	simm.s32 @p1 $0x1;
	p0 =	seq.s32 s7, s2  }
0x1e: {  	s7 =	smul.u32 @!p0 $0xF7A, s2;
	p2 =	seq.s32 @!p0 s5, $0x0  }
0x1f: {  	s9 =	smul.u32 $0xF7A, s1;
	s8 =	simm.s32 @!p0 $0x1BF5;
	p2 =	por !p2, p0  }
0x20: {  	[sflag:s8] =	ssyncset.s32 @!p0 $0xFFFFF086;
	s6 =	sadd.s32 @!p0 s3, s7;
	s7 =	simm.s32 @!p0 $0x108  }
0x21: {  	s3 =	sadd.s32 s3, s9;
	s6 =	sadd.s32 @!p0 $0x88, s6;
	s7 =	simm.s32 @p2 $0x1082  }
0x22: {  	[simem:s7], [sflag:s8] =	dma.local @!p0 [hbm:s6], $0xF7A  }
0x23: {  	s9 =	sor.u32 $0xD0000000, s2;
	s6 =	simm.s32 $0x108;
	_ =	swait.ge @!p0 [sflag:s8], $0x0  }
0x24: {  	s3 =	sadd.s32 $0x88, s3;
	s6 =	simm.s32 @!p1 $0x1082;
	[sflag:s4] =	ssyncset.s32 $0xFFFFF086  }
0x25: {  	[simem:s6], [sflag:s4] =	dma.local [hbm:s3], $0xF7A  }
0x26: {  	[smem:$0x3F96] =	sst s1;
	(tag) =	ssettag s2;
	_ =	strace s9  }
0x27: {  	s1 =	sld [smem:$0x3FA6]  }
0x28: {  	s2 =	sld [smem:$0x3FA7]  }
0x29: {  	s4 =	sld [smem:$0x3FA9]  }
0x2a: {  	p0 =	seq.s32 s5, $0x0;
	s5 =	sld [smem:$0x3FAA]  }
0x2b: {  	s6 =	sld [smem:$0x3FAB]  }
0x2c: {  	s7 =	sld [smem:$0x3FAC]  }
0x2d: {  	s3 =	simm.s32 $0x108;
	s8 =	sld [smem:$0x3FAD]  }
0x2e: {  	s3 =	simm.s32 @!p0 $0x1082;
	s9 =	sld [smem:$0x3FAE]  }
0x2f: {  	lr =	sadd.s32 s0, s3;
	s0 =	sld [smem:$0x3FA5]  }
0x30: {  	s3 =	sld [smem:$0x3FA8]  }
0x31: {  	[smem:$0x3FB1] =	sst s10  }
0x32: {  	s10 =	sld [smem:$0x3FAF];
	_ =	sdelay $0x3  }
0x33: {  	p0 =	seq.s32 s10, $0x1;
	s10 =	sld [smem:$0x3FB1];
	_ =	sdelay $0x3  }
0x34: {  	[smem:$0x3FB1] =	sst s10  }
0x35: {  	s10 =	sld [smem:$0x3FB0];
	_ =	sdelay $0x3  }
0x36: {  	p1 =	seq.s32 s10, $0x1;
	s10 =	sld [smem:$0x3FB1];
	_ =	sdelay $0x3  }
0x37: {  	[smem:$0x3FB1] =	sst s10  }
0x38: {  	s10 =	sld [smem:$0x3FB2]  }
0x39: {  	_ = 	snop;
	(pc) =	sbr.ind lr, $3  }
0x3a: {  	_ = 	snop  }
0x3b: {  	_ = 	snop  }
0x3c: {  	p2 =	seq.s32 s10, $0x1;
	s10 =	sld [smem:$0x3FB1]  }
0x3d: {  	_ =	shalt  }
0x3e: {  	_ =	shalt  }
0x3f: {  	_ =	shalt  }
0x40: {  	_ =	shalt  }
0x41: {  	_ =	shalt  }
0x42: {  	_ =	shalt  }
0x43: {  	_ =	shalt  }
0x44: {  	_ =	shalt  }
0x45: {  	_ =	shalt  }
0x46: {  	_ =	shalt  }
0x47: {  	_ =	shalt  }
0x48: {  	_ =	shalt  }
0x49: {  	_ =	shalt  }
0x4a: {  	_ =	shalt  }
0x4b: {  	_ =	shalt  }
0x4c: {  	_ =	shalt  }
0x4d: {  	_ =	shalt  }
0x4e: {  	_ =	shalt  }
0x4f: {  	_ =	shalt  }
0x50: {  	_ =	shalt  }
0x51: {  	_ =	shalt  }
0x52: {  	_ =	shalt  }
0x53: {  	_ =	shalt  }
0x54: {  	_ =	shalt  }
0x55: {  	_ =	shalt  }
0x56: {  	_ =	shalt  }
0x57: {  	_ =	shalt  }
0x58: {  	_ =	shalt  }
0x59: {  	_ =	shalt  }
0x5a: {  	_ =	shalt  }
0x5b: {  	_ =	shalt  }
0x5c: {  	_ =	shalt  }
0x5d: {  	_ =	shalt  }
0x5e: {  	_ =	shalt  }
0x5f: {  	_ =	shalt  }
0x60: {  	_ =	shalt  }
0x61: {  	_ =	shalt  }
0x62: {  	_ =	shalt  }
0x63: {  	_ =	shalt  }
0x64: {  	_ =	shalt  }
0x65: {  	_ =	shalt  }
0x66: {  	_ =	shalt  }
0x67: {  	_ =	shalt  }
0x68: {  	_ =	shalt  }
0x69: {  	_ =	shalt  }
0x6a: {  	_ =	shalt  }
0x6b: {  	_ =	shalt  }
0x6c: {  	_ =	shalt  }
0x6d: {  	_ =	shalt  }
0x6e: {  	_ =	shalt  }
0x6f: {  	_ =	shalt  }
0x70: {  	_ =	shalt  }
0x71: {  	_ =	shalt  }
0x72: {  	_ =	shalt  }
0x73: {  	_ =	shalt  }
0x74: {  	_ =	shalt  }
0x75: {  	_ =	shalt  }
0x76: {  	_ =	shalt  }
0x77: {  	_ =	shalt  }
0x78: {  	_ =	shalt  }
0x79: {  	_ =	shalt  }
0x7a: {  	_ =	shalt  }
0x7b: {  	_ =	shalt  }
0x7c: {  	_ =	shalt  }
0x7d: {  	_ =	shalt  }
0x7e: {  	_ =	shalt  }
0x7f: {  	_ =	shalt  }
0x80: {  	_ =	shalt  }
0x81: {  	_ =	shalt  }
0x82: {  	_ =	shalt  }
0x83: {  	_ =	shalt  }
0x84: {  	_ =	shalt  }
0x85: {  	_ =	shalt  }
0x86: {  	_ =	shalt  }
0x87: {  	_ =	shalt  }
.Lfunc_end0:
.L_simem_size_0:
called_computation.1_lowered:
.L_overlay_start_0:
0x88: {  	s2 =	sld [smem:$0x3FD9]  }
0x89: {  	s3 =	sld [smem:$0x3FFE];
	_ =	sdelay $0x1  }
0x8a: {  	s1 =	srdreg.scid  }
0x8b: {  	s0 =	sand.u32 $0x1, s1  }
0x8c: {  	s16 =	sshll.u32 s0, $0xA;
	s2 =	sadd.s32 s3, s2  }
0x8d: {  	s2 =	sadd.s32 s2, s16  }
0x8e: {  	[smem:$0x3FBD] =	sst s2  }
0x8f: {  	_ = 	snop  }
0x90: {  	(tm) =	ssettm $0x1  }
0x91: {  	s17 =	sld [smem:$0x3FFB];
	_ =	sdelay $0x3  }
0x92: {  	_ =	strace s17  }
0x93: {  	s2 =	sld [smem:$0x3FFC];
	_ =	sdelay $0x3  }
0x94: {  	_ =	strace s2  }
0x95: {  	s2 =	sld [smem:$0x3FFD];
	_ =	sdelay $0x3  }
0x96: {  	_ =	strace s2  }
0x97: {  	_ =	strace $0x8FFFFFFF  }
0x98: {  	s18 =	sld [smem:$0x3FDB];
	_ =	sdelay $0x1  }
0x99: {  	s19 =	simm.s32 $_scs_section_size  }
0x9a: {  	s4 =	simm.s32 $_size__tile_overlayer_lowered;
	s5 =	simm.s32 $_tile_overlayer_lowered  }
0x9b: {  	s22 =	simm.s32 $0x1BFF;
	s21 =	sshll.u32 s5, $0x1;
	s2 =	sadd.s32 s19, s18  }
0x9c: {  	s6 =	simm.s32 $0x0;
	s20 =	sshll.u32 s4, $0x1;
	s4 =	sadd.s32 s21, s2  }
0x9d: {  	[timem:s6], [sflag:s22] =	dma.local [hbm:s4], s20  }
0x9e: {  	_ =	swait.ge [sflag:s22], s20  }
0x9f: {  	s3 =	ssub.s32 $0x0, s20;
	[sflag:s22] =	ssyncset.done $0x0  }
0xa0: {  	[sflag:s22] =	ssyncadd.s32 s3;
	_ =	sdelay $0x1  }
0xa1: {  	s23 =	simm.s32 $0x1B8B  }
0xa2: {  	_ =	swait.ge [sflag:s23], $0x1  }
0xa3: {  	[sflag:s23] =	ssyncset.done $0x0  }
0xa4: {  	s25 =	simm.s32 $0x1B8E;
	s24 =	sld [smem:$0x3FFE];
	[sflag:s23] =	ssyncadd.s32 $0xFFFFFFFF  }
0xa5: {  	s26 =	simm.s32 $execute0_lowered;
	[smem:$0x3FD2] =	sst s25  }
0xa6: {  	s4 =	sshll.u32 s26, $0x1;
	_ =	strace $0x80000049;
	[dreg:$0x1] =	wrdreg $0xFFFFFFFF  }
0xa7: {  	s28 =	simm.s32 $_size_execute0_lowered;
	s2 =	sadd.s32 s2, s4;
	[dreg:$0x0] =	wrdreg $0x0  }
0xa8: {  	s4 =	sshll.u32 s28, $0x1;
	[dreg:$0x2] =	wrdreg s2  }
0xa9: {  	[dreg:$0x3] =	wrdreg s4  }
0xaa: {  	[dreg:$0x4] =	wrdreg $0xC0  }
0xab: {  	_ =	task [dreg:s6], $0x5FFFF  }
0xac: {  	[dreg:$0x1] =	wrdreg $0xFFFFFFFF  }
0xad: {  	[dreg:$0x0] =	wrdreg $0x60  }
0xae: {  	[dreg:$0x2] =	wrdreg s24  }
0xaf: {  	[dreg:$0x3] =	wrdreg $0x9C000  }
0xb0: {  	[dreg:$0x4] =	wrdreg $0x9  }
0xb1: {  	_ =	task.clear_ibuf [dreg:s6], $0x5FFFF;
	_ =	strace $0x90000049  }
0xb2: {  	s29 =	simm.s32 $0x9;
	_ =	strace $0x8000004B  }
0xb3: {  	_ =	swait.ge [sflag:s29], $0x1  }
0xb4: {  	[sflag:s29] =	ssyncadd.s32 $0xFFFFFFFF  }
0xb5: {  	_ =	strace $0x9000004B  }
0xb6: {  	_ =	sfence  }
0xb7: {  	s30 =	sld [smem:$0x0];
	_ =	sdelay $0x2  }
0xb8: {  	s31 =	sshll.u32 s1, $0xD;
	s1 =	sshrl.u32 s1, $0x2  }
0xb9: {  	s3 =	sand.u32 $0x4000, s31;
	s1 =	sadd.s32 s1, s30  }
0xba: {  	s0 =	sor.u32 s3, s0;
	s1 =	sshll.u32 s1, $0x11  }
0xbb: {  	s0 =	sor.u32 s1, s0  }
0xbc: {  	s0 =	sadd.s32 $0x8F2B, s0  }
0xbd: {  	[sflag:s0] =	ssyncadd.remote.s32 $0x1  }
0xbe: {  	_ =	sfence.sel $0xFFFF  }
0xbf: {  	[dreg:$0x0] =	wrdreg $0xFFFFFFFF;
	(pc) =	sbr.abs _section_cstart, $3  }
0xc0: {  	[dreg:$0x1] =	wrdreg $0xFFFFFFFF  }
0xc1: {  	_ =	task.clear_ibuf [dreg:s6], $0x2FFFF;
	_ =	strace $0x9FFFFFFF  }
0xc2: {  	(tm) =	ssettm $0x7FFFFFFF  }
0xc3: {  	_ =	shalt  }
tec
execute0_lowered:
.L_overlay_start_1:
0x0: {  	(tag) =	ssettag $0x1  }
0x1: {  	s0 =	srdreg.scid;
	s6 =	rddreg [dreg:$0x0]  }
0x2: {  	s2 =	rddreg [dreg:$0x1];
	s3 =	simm.s32 $0x0;
	s14 =	simm.s32 $0x64  }
0x3: {  	s15 =	simm.s32 $0x6800;
	s5 =	sand.u32 $0x1, s0;
	s0 =	stileid.u32  }
0x4: {  	s16 =	simm.s32 $0x1;
	s17 =	simm.s32 $0x0;
	s8 =	smul.u32 $0x14000, s0  }
0x5: {  	[smem:$0x7FF] =	sst s3;
	s1 =	sshll.u32 s5, $0x4;
	s9 =	smul.u32 $0x140000, s5  }
0x6: {  	s5 =	ssub.s32 $0x2, s5;
	s29 =	smul.u32 $0x50000, s0;
	s31 =	sshll.u32 s0, $0x6  }
0x7: {  	s4 =	sor.u32 s0, s1;
	s1 =	rddreg [dreg:$0x2];
	_ =	strace $0x8000004A  }
0x8: {  	s11 =	sshrl.u32 s5, $0x1;
	s7 =	smul.u32 $0x680, s4;
	s4 =	sadd.s32 $0x1D800, s6  }
0x9: {  	s28 =	sshrl.u32 s8, $0x3;
	s8 =	sadd.s32 s8, s9;
	s30 =	sshrl.u32 s29, $0x2  }
0xa: {  	s11 =	ssub.s32 s5, s11;
	s8 =	sshrl.u32 s8, $0x3;
	s13 =	sadd.s32 s30, s2  }
0xb: {  	s10 =	sadd.s32 s7, s6;
	s7 =	sadd.s32 s28, s6;
	s12 =	sadd.s32 s8, s6  }
0xc: {  	s6 =	sor.u32 $0x1C02, s31;
	s5 =	sadd.s32 $0x44A00, s7;
	s7 =	sadd.s32 $0x10800, s10  }
0xd: {  	s8 =	sadd.s32 $0x2800, s10;
	s9 =	sadd.s32 $0x6CA00, s12;
	s10 =	smax.u32 s11, $0x1  }
0xe: {  	s11 =	sshrl.u32 s13, $0x3;
	s12 =	simm.s32 $0x2;
	s13 =	simm.s32 $0x3400  }
.LBB2_1:
0xf: {  	[spmem:s11], [sflag:s6] =	dma.local [hbm:s5], $0x2800  }
0x10: {  	_ =	swait.ge [sflag:s12], $0x2800  }
0x11: {  	[sflag:s12] =	ssyncset.done $0x0  }
0x12: {  	[sflag:s12] =	ssyncadd.s32 $0xFFFFD800  }
0x13: {  	[tilespmem:s3], [sflag:$0x2] =	stream.linear.gather [hbm4b:s7+s3], $0x3200, $0x38;
	[tilespmem:$0x1DC00] =	vst v63  }
0x14: {  	_ =	swait.ge [sflag:s12], $0x3200  }
0x15: {  	[sflag:s12] =	ssyncset.done $0x0  }
0x16: {  	[sflag:s12] =	ssyncadd.s32 $0xFFFFCE00  }
0x17: {  	[tilespmem:s13], [sflag:$0x2] =	stream.linear.gather [hbm4b:s8+s3], $0x3200, $0x38;
	[tilespmem:$0x1DC00] =	vst v63  }
0x18: {  	_ =	swait.ge [sflag:s12], $0x3200  }
0x19: {  	[sflag:s12] =	ssyncset.done $0x0  }
0x1a: {  	[sflag:s12] =	ssyncadd.s32 $0xFFFFCE00  }
0x1b: {  	s18 =	simm.s32 $0x0;
	[bflag:$0x0] =	sbarrier.arrive $0xFFFF  }
0x1c: {  	[tilespmem:s15], [sflag:$0x1] =	stream.indirect.gather [hbm4b:s4+s14], $0x80, s18, s14, $0xb8;
	[tilespmem:$0x1DC00] =	vst v63  }
0x1d: {  	_ =	swait.ge [sflag:s16], $0x3200  }
0x1e: {  	[sflag:s16] =	ssyncset.done $0x0  }
0x1f: {  	s31 =	simm.s32 $0x3400;
	[sflag:s16] =	ssyncadd.s32 $0xFFFFCE00  }
0x20: {  	[spmem:s2] =	stream.indirect.scatter.add.f32 [tilespmem:s15], [sflag:$0x2], $0x80, s31, s14, $0xb8;
	[tilespmem:$0x1DC00] =	vst v63  }
0x21: {  	_ =	swait.ge [sflag:s12], $0x3200  }
0x22: {  	s19 =	simm.s32 $0x400;
	s18 =	simm.s32 $0x200;
	[sflag:s12] =	ssyncset.done $0x0  }
.LBB2_2:
0x23: {  	s20 =	sshra.s32 s18, $0x2  }
0x24: {  	[sflag:s12] =	ssyncadd.s32 $0xFFFFCE00;
	s18 =	smov.u32 s19;
	s21 =	sadd.s32 $0x200, s19  }
0x25: {  	[tilespmem:s15], [sflag:$0x1] =	stream.indirect.gather [hbm4b:s4+s14], $0x80, s20, s14, $0xb8;
	[tilespmem:$0x1DC00] =	vst v63  }
0x26: {  	p0 =	sne.s32 s19, $0xC600;
	_ =	swait.ge [sflag:s16], $0x3200  }
.Ltmp0:
0x27: {  	[sflag:s16] =	ssyncset.done $0x0;
	(pc) =	sbr.rel @p0 .LBB2_2-.Ltmp0, $4  }
0x28: {  	s19 =	sadd.s32 $0x3400, s20;
	[sflag:s16] =	ssyncadd.s32 $0xFFFFCE00  }
0x29: {  	[spmem:s2] =	stream.indirect.scatter.add.f32 [tilespmem:s15], [sflag:$0x2], $0x80, s19, s14, $0xb8;
	[tilespmem:$0x1DC00] =	vst v63  }
0x2a: {  	_ =	swait.ge [sflag:s12], $0x3200  }
0x2b: {  	s19 =	smov.u32 s21;
	[sflag:s12] =	ssyncset.done $0x0  }
0x2c: {  	s18 =	sshra.s32 s18, $0x2;
	[sflag:s12] =	ssyncadd.s32 $0xFFFFCE00  }
0x2d: {  	[tilespmem:s15], [sflag:$0x1] =	stream.indirect.gather [hbm4b:s4+s14], $0x80, s18, s14, $0xb8;
	[tilespmem:$0x1DC00] =	vst v63  }
0x2e: {  	_ =	swait.ge [sflag:s16], $0x3200  }
0x2f: {  	[sflag:s16] =	ssyncset.done $0x0  }
0x30: {  	s18 =	sadd.s32 $0x3400, s18;
	[sflag:s16] =	ssyncadd.s32 $0xFFFFCE00  }
0x31: {  	[spmem:s2] =	stream.indirect.scatter.add.f32 [tilespmem:s15], [sflag:$0x2], $0x80, s18, s14, $0xb8;
	[tilespmem:$0x1DC00] =	vst v63  }
0x32: {  	_ =	swait.ge [sflag:s12], $0x3200  }
0x33: {  	s17 =	sadd.s32 $0x1, s17;
	[sflag:s12] =	ssyncset.done $0x0  }
0x34: {  	p0 =	sne.s32 s17, s10;
	[sflag:s12] =	ssyncadd.s32 $0xFFFFCE00  }
.Ltmp1:
0x35: {  	[bflag:$0x0] =	sbarrier.arrive $0xFFFF;
	(pc) =	sbr.rel @p0 .LBB2_1-.Ltmp1, $4  }
0x36: {  	[hbm:s9], [sflag:s6] =	dma.local [spmem:s11], $0x2800  }
0x37: {  	_ =	swait.ge [sflag:s12], $0x2800  }
0x38: {  	[sflag:s12] =	ssyncset.done $0x0  }
0x39: {  	[sflag:s12] =	ssyncadd.s32 $0xFFFFD800  }
0x3a: {  	_ =	sfence.sel $0x180000  }
0x3b: {  	[bflag:$0x0] =	sbarrier.arrive $0xFFFF  }
0x3c: {  	p0 =	sne.s32 s0, $0x0;
	_ =	strace $0x9000004A  }
0x3d: {  	s0 =	sadd.s32 @!p0 $0x100000, s1;
	[bflag:$0x2] =	sbarrier.arrive $0xFFFF  }
0x3e: {  	[sflag:s0] =	ssyncadd.tile.s32 @!p0 $0x1;
	_ =	shalt  }
.Lfunc_end2:
_tile_overlayer_lowered:
.L_overlay_start_2:
0x3f: {  	(tag) =	ssettag $0x2  }
0x40: {  	s0 =	rddreg [dreg:$0x0];
	s2 =	stileid.u32  }
0x41: {  	s1 =	rddreg [dreg:$0x1];
	p0 =	sne.s32 s2, $0x0  }
0x42: {  	s3 =	rddreg [dreg:$0x2];
	[bflag:$0x3] =	sbarrier.arrive $0xFFFF;
	s2 =	simm.s32 @!p0 $0x1C02  }
0x43: {  	[timem:s3], [sflag:s2] =	dma.local @!p0 [hbm:s0], s1  }
0x44: {  	s0 =	simm.s32 @!p0 $0x2  }
0x45: {  	_ =	swait.ge @!p0 [sflag:s0], s1  }
0x46: {  	s1 =	ssub.s32 @!p0 $0x0, s1;
	[sflag:s0] =	ssyncset.done @!p0 $0x0  }
0x47: {  	[sflag:s0] =	ssyncadd.s32 @!p0 s1  }
0x48: {  	[bflag:$0x3] =	sbarrier.arrive $0xFFFF  }
0x49: {  	_ =	shalt  }

// kernel: kernel.15.cloned.1.call-start
scs
__scs_entry_jumppad:
0x0: {  	(pc) =	sbr.rel $0x88, $3  }
0x1: {  	(tag) =	ssettag $0x0;
	lr =	simm.s32 $0x1  }
0x2: {  	[smem:$0x3F96] =	sst lr;
	_ =	strace $0xD0000000  }
0x3: {  	_ = 	snop  }
0x4: {  	_ = 	snop  }
0x5: {  	_ = 	snop  }
0x6: {  	_ = 	snop  }
0x7: {  	_ = 	snop  }
__scs_overlays_trampoline_lowered:
0x8: {  	[smem:$0x3FA5] =	sst s0  }
0x9: {  	[smem:$0x3FA6] =	sst s1  }
0xa: {  	[smem:$0x3FA7] =	sst s2  }
0xb: {  	[smem:$0x3FA8] =	sst s3  }
0xc: {  	[smem:$0x3FA9] =	sst s4  }
0xd: {  	[smem:$0x3FAA] =	sst s5  }
0xe: {  	[smem:$0x3FAB] =	sst s6  }
0xf: {  	[smem:$0x3FAC] =	sst s7  }
0x10: {  	[smem:$0x3FAD] =	sst s8  }
0x11: {  	[smem:$0x3FAE] =	sst s9;
	s0 =	simm.s32 @!p0 $0x0  }
0x12: {  	s1 =	sld [smem:$0x3F94];
	s0 =	simm.s32 @p0 $0x1  }
0x13: {  	[smem:$0x3FAF] =	sst s0;
	s0 =	simm.s32 @!p1 $0x0  }
0x14: {  	s2 =	sld [smem:$0x3F93];
	s0 =	simm.s32 @p1 $0x1  }
0x15: {  	[smem:$0x3FB0] =	sst s0;
	s0 =	simm.s32 @!p2 $0x0  }
0x16: {  	s3 =	sld [smem:$0x3FDB];
	s0 =	simm.s32 @p2 $0x1  }
0x17: {  	s4 =	simm.s32 $0x1BF5;
	[smem:$0x3FB2] =	sst s0  }
0x18: {  	s0 =	sld [smem:$0x3F95];
	_ =	swait.ge [sflag:s4], $0x0  }
0x19: {  	s7 =	sld [smem:$0x3F96]  }
0x1a: {  	s8 =	sadd.s32 $0xFFFFE003, lr  }
0x1b: {  	s9 =	sadd.s32 $0xFFFFFEF7, lr;
	s5 =	simm.s32 $0xFFFFFFFF;
	p2 =	slt.u32 s8, $0xFFFFF086  }
0x1c: {  	p1 =	slt.u32 s9, $0xF7A;
	s5 =	simm.s32 @!p2 $0x0  }
0x1d: {  	s5 =	simm.s32 @p1 $0x1;
	p0 =	seq.s32 s7, s2  }
0x1e: {  	s7 =	smul.u32 @!p0 $0xF7A, s2;
	p2 =	seq.s32 @!p0 s5, $0x0  }
0x1f: {  	s9 =	smul.u32 $0xF7A, s1;
	s8 =	simm.s32 @!p0 $0x1BF5;
	p2 =	por !p2, p0  }
0x20: {  	[sflag:s8] =	ssyncset.s32 @!p0 $0xFFFFF086;
	s6 =	sadd.s32 @!p0 s3, s7;
	s7 =	simm.s32 @!p0 $0x108  }
0x21: {  	s3 =	sadd.s32 s3, s9;
	s6 =	sadd.s32 @!p0 $0x88, s6;
	s7 =	simm.s32 @p2 $0x1082  }
0x22: {  	[simem:s7], [sflag:s8] =	dma.local @!p0 [hbm:s6], $0xF7A  }
0x23: {  	s9 =	sor.u32 $0xD0000000, s2;
	s6 =	simm.s32 $0x108;
	_ =	swait.ge @!p0 [sflag:s8], $0x0  }
0x24: {  	s3 =	sadd.s32 $0x88, s3;
	s6 =	simm.s32 @!p1 $0x1082;
	[sflag:s4] =	ssyncset.s32 $0xFFFFF086  }
0x25: {  	[simem:s6], [sflag:s4] =	dma.local [hbm:s3], $0xF7A  }
0x26: {  	[smem:$0x3F96] =	sst s1;
	(tag) =	ssettag s2;
	_ =	strace s9  }
0x27: {  	s1 =	sld [smem:$0x3FA6]  }
0x28: {  	s2 =	sld [smem:$0x3FA7]  }
0x29: {  	s4 =	sld [smem:$0x3FA9]  }
0x2a: {  	p0 =	seq.s32 s5, $0x0;
	s5 =	sld [smem:$0x3FAA]  }
0x2b: {  	s6 =	sld [smem:$0x3FAB]  }
0x2c: {  	s7 =	sld [smem:$0x3FAC]  }
0x2d: {  	s3 =	simm.s32 $0x108;
	s8 =	sld [smem:$0x3FAD]  }
0x2e: {  	s3 =	simm.s32 @!p0 $0x1082;
	s9 =	sld [smem:$0x3FAE]  }
0x2f: {  	lr =	sadd.s32 s0, s3;
	s0 =	sld [smem:$0x3FA5]  }
0x30: {  	s3 =	sld [smem:$0x3FA8]  }
0x31: {  	[smem:$0x3FB1] =	sst s10  }
0x32: {  	s10 =	sld [smem:$0x3FAF];
	_ =	sdelay $0x3  }
0x33: {  	p0 =	seq.s32 s10, $0x1;
	s10 =	sld [smem:$0x3FB1];
	_ =	sdelay $0x3  }
0x34: {  	[smem:$0x3FB1] =	sst s10  }
0x35: {  	s10 =	sld [smem:$0x3FB0];
	_ =	sdelay $0x3  }
0x36: {  	p1 =	seq.s32 s10, $0x1;
	s10 =	sld [smem:$0x3FB1];
	_ =	sdelay $0x3  }
0x37: {  	[smem:$0x3FB1] =	sst s10  }
0x38: {  	s10 =	sld [smem:$0x3FB2]  }
0x39: {  	_ = 	snop;
	(pc) =	sbr.ind lr, $3  }
0x3a: {  	_ = 	snop  }
0x3b: {  	_ = 	snop  }
0x3c: {  	p2 =	seq.s32 s10, $0x1;
	s10 =	sld [smem:$0x3FB1]  }
0x3d: {  	_ =	shalt  }
0x3e: {  	_ =	shalt  }
0x3f: {  	_ =	shalt  }
0x40: {  	_ =	shalt  }
0x41: {  	_ =	shalt  }
0x42: {  	_ =	shalt  }
0x43: {  	_ =	shalt  }
0x44: {  	_ =	shalt  }
0x45: {  	_ =	shalt  }
0x46: {  	_ =	shalt  }
0x47: {  	_ =	shalt  }
0x48: {  	_ =	shalt  }
0x49: {  	_ =	shalt  }
0x4a: {  	_ =	shalt  }
0x4b: {  	_ =	shalt  }
0x4c: {  	_ =	shalt  }
0x4d: {  	_ =	shalt  }
0x4e: {  	_ =	shalt  }
0x4f: {  	_ =	shalt  }
0x50: {  	_ =	shalt  }
0x51: {  	_ =	shalt  }
0x52: {  	_ =	shalt  }
0x53: {  	_ =	shalt  }
0x54: {  	_ =	shalt  }
0x55: {  	_ =	shalt  }
0x56: {  	_ =	shalt  }
0x57: {  	_ =	shalt  }
0x58: {  	_ =	shalt  }
0x59: {  	_ =	shalt  }
0x5a: {  	_ =	shalt  }
0x5b: {  	_ =	shalt  }
0x5c: {  	_ =	shalt  }
0x5d: {  	_ =	shalt  }
0x5e: {  	_ =	shalt  }
0x5f: {  	_ =	shalt  }
0x60: {  	_ =	shalt  }
0x61: {  	_ =	shalt  }
0x62: {  	_ =	shalt  }
0x63: {  	_ =	shalt  }
0x64: {  	_ =	shalt  }
0x65: {  	_ =	shalt  }
0x66: {  	_ =	shalt  }
0x67: {  	_ =	shalt  }
0x68: {  	_ =	shalt  }
0x69: {  	_ =	shalt  }
0x6a: {  	_ =	shalt  }
0x6b: {  	_ =	shalt  }
0x6c: {  	_ =	shalt  }
0x6d: {  	_ =	shalt  }
0x6e: {  	_ =	shalt  }
0x6f: {  	_ =	shalt  }
0x70: {  	_ =	shalt  }
0x71: {  	_ =	shalt  }
0x72: {  	_ =	shalt  }
0x73: {  	_ =	shalt  }
0x74: {  	_ =	shalt  }
0x75: {  	_ =	shalt  }
0x76: {  	_ =	shalt  }
0x77: {  	_ =	shalt  }
0x78: {  	_ =	shalt  }
0x79: {  	_ =	shalt  }
0x7a: {  	_ =	shalt  }
0x7b: {  	_ =	shalt  }
0x7c: {  	_ =	shalt  }
0x7d: {  	_ =	shalt  }
0x7e: {  	_ =	shalt  }
0x7f: {  	_ =	shalt  }
0x80: {  	_ =	shalt  }
0x81: {  	_ =	shalt  }
0x82: {  	_ =	shalt  }
0x83: {  	_ =	shalt  }
0x84: {  	_ =	shalt  }
0x85: {  	_ =	shalt  }
0x86: {  	_ =	shalt  }
0x87: {  	_ =	shalt  }
.Lfunc_end0:
.L_simem_size_0:
called_computation.2_lowered:
.L_overlay_start_0:
0x88: {  	s2 =	sld [smem:$0x3FD9]  }
0x89: {  	s3 =	sld [smem:$0x3FFE];
	_ =	sdelay $0x1  }
0x8a: {  	s1 =	srdreg.scid  }
0x8b: {  	s0 =	sand.u32 $0x1, s1  }
0x8c: {  	s16 =	sshll.u32 s0, $0xA;
	s2 =	sadd.s32 s3, s2  }
0x8d: {  	s2 =	sadd.s32 s2, s16  }
0x8e: {  	[smem:$0x3FBD] =	sst s2  }
0x8f: {  	_ = 	snop  }
0x90: {  	(tm) =	ssettm $0x1  }
0x91: {  	s17 =	sld [smem:$0x3FFB];
	_ =	sdelay $0x3  }
0x92: {  	_ =	strace s17  }
0x93: {  	s2 =	sld [smem:$0x3FFC];
	_ =	sdelay $0x3  }
0x94: {  	_ =	strace s2  }
0x95: {  	s2 =	sld [smem:$0x3FFD];
	_ =	sdelay $0x3  }
0x96: {  	_ =	strace s2  }
0x97: {  	_ =	strace $0x8FFFFFFF  }
0x98: {  	s18 =	sld [smem:$0x3FDB];
	_ =	sdelay $0x1  }
0x99: {  	s19 =	simm.s32 $_scs_section_size  }
0x9a: {  	s4 =	simm.s32 $_size__tile_overlayer_lowered;
	s5 =	simm.s32 $_tile_overlayer_lowered  }
0x9b: {  	s22 =	simm.s32 $0x1BFF;
	s21 =	sshll.u32 s5, $0x1;
	s2 =	sadd.s32 s19, s18  }
0x9c: {  	s6 =	simm.s32 $0x0;
	s20 =	sshll.u32 s4, $0x1;
	s4 =	sadd.s32 s21, s2  }
0x9d: {  	[timem:s6], [sflag:s22] =	dma.local [hbm:s4], s20  }
0x9e: {  	_ =	swait.ge [sflag:s22], s20  }
0x9f: {  	s3 =	ssub.s32 $0x0, s20;
	[sflag:s22] =	ssyncset.done $0x0  }
0xa0: {  	[sflag:s22] =	ssyncadd.s32 s3;
	_ =	sdelay $0x1  }
0xa1: {  	s23 =	simm.s32 $0x1B8B  }
0xa2: {  	_ =	swait.ge [sflag:s23], $0x1  }
0xa3: {  	[sflag:s23] =	ssyncset.done $0x0  }
0xa4: {  	s25 =	simm.s32 $0x1B8E;
	s24 =	sld [smem:$0x3FFE];
	[sflag:s23] =	ssyncadd.s32 $0xFFFFFFFF  }
0xa5: {  	s26 =	simm.s32 $execute0_lowered;
	[smem:$0x3FD2] =	sst s25  }
0xa6: {  	s4 =	sshll.u32 s26, $0x1;
	_ =	strace $0x8000004C;
	[dreg:$0x1] =	wrdreg $0xFFFFFFFF  }
0xa7: {  	s28 =	simm.s32 $_size_execute0_lowered;
	s2 =	sadd.s32 s2, s4;
	[dreg:$0x0] =	wrdreg $0x0  }
0xa8: {  	s4 =	sshll.u32 s28, $0x1;
	[dreg:$0x2] =	wrdreg s2  }
0xa9: {  	[dreg:$0x3] =	wrdreg s4  }
0xaa: {  	[dreg:$0x4] =	wrdreg $0xC0  }
0xab: {  	_ =	task [dreg:s6], $0x5FFFF  }
0xac: {  	[dreg:$0x1] =	wrdreg $0xFFFFFFFF  }
0xad: {  	[dreg:$0x0] =	wrdreg $0x60  }
0xae: {  	[dreg:$0x2] =	wrdreg s24  }
0xaf: {  	[dreg:$0x3] =	wrdreg $0x9C000  }
0xb0: {  	[dreg:$0x4] =	wrdreg $0x9  }
0xb1: {  	_ =	task.clear_ibuf [dreg:s6], $0x5FFFF;
	_ =	strace $0x9000004C  }
0xb2: {  	s29 =	simm.s32 $0x9;
	_ =	strace $0x8000004E  }
0xb3: {  	_ =	swait.ge [sflag:s29], $0x1  }
0xb4: {  	[sflag:s29] =	ssyncadd.s32 $0xFFFFFFFF  }
0xb5: {  	_ =	strace $0x9000004E  }
0xb6: {  	_ =	sfence  }
0xb7: {  	s30 =	sld [smem:$0x0];
	_ =	sdelay $0x2  }
0xb8: {  	s31 =	sshll.u32 s1, $0xD;
	s1 =	sshrl.u32 s1, $0x2  }
0xb9: {  	s3 =	sand.u32 $0x4000, s31;
	s1 =	sadd.s32 s1, s30  }
0xba: {  	s0 =	sor.u32 s3, s0;
	s1 =	sshll.u32 s1, $0x11  }
0xbb: {  	s0 =	sor.u32 s1, s0  }
0xbc: {  	s0 =	sadd.s32 $0x8F2B, s0  }
0xbd: {  	[sflag:s0] =	ssyncadd.remote.s32 $0x1  }
0xbe: {  	_ =	sfence.sel $0xFFFF  }
0xbf: {  	[dreg:$0x0] =	wrdreg $0xFFFFFFFF;
	(pc) =	sbr.abs _section_cstart, $3  }
0xc0: {  	[dreg:$0x1] =	wrdreg $0xFFFFFFFF  }
0xc1: {  	_ =	task.clear_ibuf [dreg:s6], $0x2FFFF;
	_ =	strace $0x9FFFFFFF  }
0xc2: {  	(tm) =	ssettm $0x7FFFFFFF  }
0xc3: {  	_ =	shalt  }
tec
execute0_lowered:
.L_overlay_start_1:
0x0: {  	(tag) =	ssettag $0x1  }
0x1: {  	s0 =	srdreg.scid;
	s6 =	rddreg [dreg:$0x0]  }
0x2: {  	s2 =	rddreg [dreg:$0x1];
	s3 =	simm.s32 $0x0;
	s14 =	simm.s32 $0x64  }
0x3: {  	s15 =	simm.s32 $0x6800;
	s5 =	sand.u32 $0x1, s0;
	s0 =	stileid.u32  }
0x4: {  	s16 =	simm.s32 $0x1;
	s17 =	simm.s32 $0x0;
	s8 =	smul.u32 $0x14000, s0  }
0x5: {  	[smem:$0x7FF] =	sst s3;
	s1 =	sshll.u32 s5, $0x4;
	s9 =	smul.u32 $0x140000, s5  }
0x6: {  	s5 =	ssub.s32 $0x2, s5;
	s29 =	smul.u32 $0x50000, s0;
	s31 =	sshll.u32 s0, $0x6  }
0x7: {  	s4 =	sor.u32 s0, s1;
	s1 =	rddreg [dreg:$0x2];
	_ =	strace $0x8000004D  }
0x8: {  	s11 =	sshrl.u32 s5, $0x1;
	s7 =	smul.u32 $0x680, s4;
	s4 =	sadd.s32 $0x1D800, s6  }
0x9: {  	s28 =	sshrl.u32 s8, $0x3;
	s8 =	sadd.s32 s8, s9;
	s30 =	sshrl.u32 s29, $0x2  }
0xa: {  	s11 =	ssub.s32 s5, s11;
	s8 =	sshrl.u32 s8, $0x3;
	s13 =	sadd.s32 s30, s2  }
0xb: {  	s10 =	sadd.s32 s7, s6;
	s7 =	sadd.s32 s28, s6;
	s12 =	sadd.s32 s8, s6  }
0xc: {  	s6 =	sor.u32 $0x1C02, s31;
	s5 =	sadd.s32 $0x44A00, s7;
	s7 =	sadd.s32 $0x10800, s10  }
0xd: {  	s8 =	sadd.s32 $0x2800, s10;
	s9 =	sadd.s32 $0x6CA00, s12;
	s10 =	smax.u32 s11, $0x1  }
0xe: {  	s11 =	sshrl.u32 s13, $0x3;
	s12 =	simm.s32 $0x2;
	s13 =	simm.s32 $0x3400  }
.LBB2_1:
0xf: {  	[spmem:s11], [sflag:s6] =	dma.local [hbm:s5], $0x2800  }
0x10: {  	_ =	swait.ge [sflag:s12], $0x2800  }
0x11: {  	[sflag:s12] =	ssyncset.done $0x0  }
0x12: {  	[sflag:s12] =	ssyncadd.s32 $0xFFFFD800  }
0x13: {  	[tilespmem:s3], [sflag:$0x2] =	stream.linear.gather [hbm4b:s7+s3], $0x3200, $0x38;
	[tilespmem:$0x1DC00] =	vst v63  }
0x14: {  	_ =	swait.ge [sflag:s12], $0x3200  }
0x15: {  	[sflag:s12] =	ssyncset.done $0x0  }
0x16: {  	[sflag:s12] =	ssyncadd.s32 $0xFFFFCE00  }
0x17: {  	[tilespmem:s13], [sflag:$0x2] =	stream.linear.gather [hbm4b:s8+s3], $0x3200, $0x38;
	[tilespmem:$0x1DC00] =	vst v63  }
0x18: {  	_ =	swait.ge [sflag:s12], $0x3200  }
0x19: {  	[sflag:s12] =	ssyncset.done $0x0  }
0x1a: {  	[sflag:s12] =	ssyncadd.s32 $0xFFFFCE00  }
0x1b: {  	s18 =	simm.s32 $0x0;
	[bflag:$0x0] =	sbarrier.arrive $0xFFFF  }
0x1c: {  	[tilespmem:s15], [sflag:$0x1] =	stream.indirect.gather [hbm4b:s4+s14], $0x80, s18, s14, $0xb8;
	[tilespmem:$0x1DC00] =	vst v63  }
0x1d: {  	_ =	swait.ge [sflag:s16], $0x3200  }
0x1e: {  	[sflag:s16] =	ssyncset.done $0x0  }
0x1f: {  	s31 =	simm.s32 $0x3400;
	[sflag:s16] =	ssyncadd.s32 $0xFFFFCE00  }
0x20: {  	[spmem:s2] =	stream.indirect.scatter.add.f32 [tilespmem:s15], [sflag:$0x2], $0x80, s31, s14, $0xb8;
	[tilespmem:$0x1DC00] =	vst v63  }
0x21: {  	_ =	swait.ge [sflag:s12], $0x3200  }
0x22: {  	s19 =	simm.s32 $0x400;
	s18 =	simm.s32 $0x200;
	[sflag:s12] =	ssyncset.done $0x0  }
.LBB2_2:
0x23: {  	s20 =	sshra.s32 s18, $0x2  }
0x24: {  	[sflag:s12] =	ssyncadd.s32 $0xFFFFCE00;
	s18 =	smov.u32 s19;
	s21 =	sadd.s32 $0x200, s19  }
0x25: {  	[tilespmem:s15], [sflag:$0x1] =	stream.indirect.gather [hbm4b:s4+s14], $0x80, s20, s14, $0xb8;
	[tilespmem:$0x1DC00] =	vst v63  }
0x26: {  	p0 =	sne.s32 s19, $0xC600;
	_ =	swait.ge [sflag:s16], $0x3200  }
.Ltmp0:
0x27: {  	[sflag:s16] =	ssyncset.done $0x0;
	(pc) =	sbr.rel @p0 .LBB2_2-.Ltmp0, $4  }
0x28: {  	s19 =	sadd.s32 $0x3400, s20;
	[sflag:s16] =	ssyncadd.s32 $0xFFFFCE00  }
0x29: {  	[spmem:s2] =	stream.indirect.scatter.add.f32 [tilespmem:s15], [sflag:$0x2], $0x80, s19, s14, $0xb8;
	[tilespmem:$0x1DC00] =	vst v63  }
0x2a: {  	_ =	swait.ge [sflag:s12], $0x3200  }
0x2b: {  	s19 =	smov.u32 s21;
	[sflag:s12] =	ssyncset.done $0x0  }
0x2c: {  	s18 =	sshra.s32 s18, $0x2;
	[sflag:s12] =	ssyncadd.s32 $0xFFFFCE00  }
0x2d: {  	[tilespmem:s15], [sflag:$0x1] =	stream.indirect.gather [hbm4b:s4+s14], $0x80, s18, s14, $0xb8;
	[tilespmem:$0x1DC00] =	vst v63  }
0x2e: {  	_ =	swait.ge [sflag:s16], $0x3200  }
0x2f: {  	[sflag:s16] =	ssyncset.done $0x0  }
0x30: {  	s18 =	sadd.s32 $0x3400, s18;
	[sflag:s16] =	ssyncadd.s32 $0xFFFFCE00  }
0x31: {  	[spmem:s2] =	stream.indirect.scatter.add.f32 [tilespmem:s15], [sflag:$0x2], $0x80, s18, s14, $0xb8;
	[tilespmem:$0x1DC00] =	vst v63  }
0x32: {  	_ =	swait.ge [sflag:s12], $0x3200  }
0x33: {  	s17 =	sadd.s32 $0x1, s17;
	[sflag:s12] =	ssyncset.done $0x0  }
0x34: {  	p0 =	sne.s32 s17, s10;
	[sflag:s12] =	ssyncadd.s32 $0xFFFFCE00  }
.Ltmp1:
0x35: {  	[bflag:$0x0] =	sbarrier.arrive $0xFFFF;
	(pc) =	sbr.rel @p0 .LBB2_1-.Ltmp1, $4  }
0x36: {  	[hbm:s9], [sflag:s6] =	dma.local [spmem:s11], $0x2800  }
0x37: {  	_ =	swait.ge [sflag:s12], $0x2800  }
0x38: {  	[sflag:s12] =	ssyncset.done $0x0  }
0x39: {  	[sflag:s12] =	ssyncadd.s32 $0xFFFFD800  }
0x3a: {  	_ =	sfence.sel $0x180000  }
0x3b: {  	[bflag:$0x0] =	sbarrier.arrive $0xFFFF  }
0x3c: {  	p0 =	sne.s32 s0, $0x0;
	_ =	strace $0x9000004D  }
0x3d: {  	s0 =	sadd.s32 @!p0 $0x100000, s1;
	[bflag:$0x2] =	sbarrier.arrive $0xFFFF  }
0x3e: {  	[sflag:s0] =	ssyncadd.tile.s32 @!p0 $0x1;
	_ =	shalt  }
.Lfunc_end2:
_tile_overlayer_lowered:
.L_overlay_start_2:
0x3f: {  	(tag) =	ssettag $0x2  }
0x40: {  	s0 =	rddreg [dreg:$0x0];
	s2 =	stileid.u32  }
0x41: {  	s1 =	rddreg [dreg:$0x1];
	p0 =	sne.s32 s2, $0x0  }
0x42: {  	s3 =	rddreg [dreg:$0x2];
	[bflag:$0x3] =	sbarrier.arrive $0xFFFF;
	s2 =	simm.s32 @!p0 $0x1C02  }
0x43: {  	[timem:s3], [sflag:s2] =	dma.local @!p0 [hbm:s0], s1  }
0x44: {  	s0 =	simm.s32 @!p0 $0x2  }
0x45: {  	_ =	swait.ge @!p0 [sflag:s0], s1  }
0x46: {  	s1 =	ssub.s32 @!p0 $0x0, s1;
	[sflag:s0] =	ssyncset.done @!p0 $0x0  }
0x47: {  	[sflag:s0] =	ssyncadd.s32 @!p0 s1  }
0x48: {  	[bflag:$0x3] =	sbarrier.arrive $0xFFFF  }
0x49: {  	_ =	shalt  }

// kernel: kernel.9.cloned.1.call-start
scs
__scs_entry_jumppad:
0x0: {  	(pc) =	sbr.rel $0x88, $3  }
0x1: {  	(tag) =	ssettag $0x0;
	lr =	simm.s32 $0x1  }
0x2: {  	[smem:$0x3F96] =	sst lr;
	_ =	strace $0xD0000000  }
0x3: {  	_ = 	snop  }
0x4: {  	_ = 	snop  }
0x5: {  	_ = 	snop  }
0x6: {  	_ = 	snop  }
0x7: {  	_ = 	snop  }
__scs_overlays_trampoline_lowered:
0x8: {  	[smem:$0x3FA5] =	sst s0  }
0x9: {  	[smem:$0x3FA6] =	sst s1  }
0xa: {  	[smem:$0x3FA7] =	sst s2  }
0xb: {  	[smem:$0x3FA8] =	sst s3  }
0xc: {  	[smem:$0x3FA9] =	sst s4  }
0xd: {  	[smem:$0x3FAA] =	sst s5  }
0xe: {  	[smem:$0x3FAB] =	sst s6  }
0xf: {  	[smem:$0x3FAC] =	sst s7  }
0x10: {  	[smem:$0x3FAD] =	sst s8  }
0x11: {  	[smem:$0x3FAE] =	sst s9;
	s0 =	simm.s32 @!p0 $0x0  }
0x12: {  	s1 =	sld [smem:$0x3F94];
	s0 =	simm.s32 @p0 $0x1  }
0x13: {  	[smem:$0x3FAF] =	sst s0;
	s0 =	simm.s32 @!p1 $0x0  }
0x14: {  	s2 =	sld [smem:$0x3F93];
	s0 =	simm.s32 @p1 $0x1  }
0x15: {  	[smem:$0x3FB0] =	sst s0;
	s0 =	simm.s32 @!p2 $0x0  }
0x16: {  	s3 =	sld [smem:$0x3FDB];
	s0 =	simm.s32 @p2 $0x1  }
0x17: {  	s4 =	simm.s32 $0x1BF5;
	[smem:$0x3FB2] =	sst s0  }
0x18: {  	s0 =	sld [smem:$0x3F95];
	_ =	swait.ge [sflag:s4], $0x0  }
0x19: {  	s7 =	sld [smem:$0x3F96]  }
0x1a: {  	s8 =	sadd.s32 $0xFFFFE003, lr  }
0x1b: {  	s9 =	sadd.s32 $0xFFFFFEF7, lr;
	s5 =	simm.s32 $0xFFFFFFFF;
	p2 =	slt.u32 s8, $0xFFFFF086  }
0x1c: {  	p1 =	slt.u32 s9, $0xF7A;
	s5 =	simm.s32 @!p2 $0x0  }
0x1d: {  	s5 =	simm.s32 @p1 $0x1;
	p0 =	seq.s32 s7, s2  }
0x1e: {  	s7 =	smul.u32 @!p0 $0xF7A, s2;
	p2 =	seq.s32 @!p0 s5, $0x0  }
0x1f: {  	s9 =	smul.u32 $0xF7A, s1;
	s8 =	simm.s32 @!p0 $0x1BF5;
	p2 =	por !p2, p0  }
0x20: {  	[sflag:s8] =	ssyncset.s32 @!p0 $0xFFFFF086;
	s6 =	sadd.s32 @!p0 s3, s7;
	s7 =	simm.s32 @!p0 $0x108  }
0x21: {  	s3 =	sadd.s32 s3, s9;
	s6 =	sadd.s32 @!p0 $0x88, s6;
	s7 =	simm.s32 @p2 $0x1082  }
0x22: {  	[simem:s7], [sflag:s8] =	dma.local @!p0 [hbm:s6], $0xF7A  }
0x23: {  	s9 =	sor.u32 $0xD0000000, s2;
	s6 =	simm.s32 $0x108;
	_ =	swait.ge @!p0 [sflag:s8], $0x0  }
0x24: {  	s3 =	sadd.s32 $0x88, s3;
	s6 =	simm.s32 @!p1 $0x1082;
	[sflag:s4] =	ssyncset.s32 $0xFFFFF086  }
0x25: {  	[simem:s6], [sflag:s4] =	dma.local [hbm:s3], $0xF7A  }
0x26: {  	[smem:$0x3F96] =	sst s1;
	(tag) =	ssettag s2;
	_ =	strace s9  }
0x27: {  	s1 =	sld [smem:$0x3FA6]  }
0x28: {  	s2 =	sld [smem:$0x3FA7]  }
0x29: {  	s4 =	sld [smem:$0x3FA9]  }
0x2a: {  	p0 =	seq.s32 s5, $0x0;
	s5 =	sld [smem:$0x3FAA]  }
0x2b: {  	s6 =	sld [smem:$0x3FAB]  }
0x2c: {  	s7 =	sld [smem:$0x3FAC]  }
0x2d: {  	s3 =	simm.s32 $0x108;
	s8 =	sld [smem:$0x3FAD]  }
0x2e: {  	s3 =	simm.s32 @!p0 $0x1082;
	s9 =	sld [smem:$0x3FAE]  }
0x2f: {  	lr =	sadd.s32 s0, s3;
	s0 =	sld [smem:$0x3FA5]  }
0x30: {  	s3 =	sld [smem:$0x3FA8]  }
0x31: {  	[smem:$0x3FB1] =	sst s10  }
0x32: {  	s10 =	sld [smem:$0x3FAF];
	_ =	sdelay $0x3  }
0x33: {  	p0 =	seq.s32 s10, $0x1;
	s10 =	sld [smem:$0x3FB1];
	_ =	sdelay $0x3  }
0x34: {  	[smem:$0x3FB1] =	sst s10  }
0x35: {  	s10 =	sld [smem:$0x3FB0];
	_ =	sdelay $0x3  }
0x36: {  	p1 =	seq.s32 s10, $0x1;
	s10 =	sld [smem:$0x3FB1];
	_ =	sdelay $0x3  }
0x37: {  	[smem:$0x3FB1] =	sst s10  }
0x38: {  	s10 =	sld [smem:$0x3FB2]  }
0x39: {  	_ = 	snop;
	(pc) =	sbr.ind lr, $3  }
0x3a: {  	_ = 	snop  }
0x3b: {  	_ = 	snop  }
0x3c: {  	p2 =	seq.s32 s10, $0x1;
	s10 =	sld [smem:$0x3FB1]  }
0x3d: {  	_ =	shalt  }
0x3e: {  	_ =	shalt  }
0x3f: {  	_ =	shalt  }
0x40: {  	_ =	shalt  }
0x41: {  	_ =	shalt  }
0x42: {  	_ =	shalt  }
0x43: {  	_ =	shalt  }
0x44: {  	_ =	shalt  }
0x45: {  	_ =	shalt  }
0x46: {  	_ =	shalt  }
0x47: {  	_ =	shalt  }
0x48: {  	_ =	shalt  }
0x49: {  	_ =	shalt  }
0x4a: {  	_ =	shalt  }
0x4b: {  	_ =	shalt  }
0x4c: {  	_ =	shalt  }
0x4d: {  	_ =	shalt  }
0x4e: {  	_ =	shalt  }
0x4f: {  	_ =	shalt  }
0x50: {  	_ =	shalt  }
0x51: {  	_ =	shalt  }
0x52: {  	_ =	shalt  }
0x53: {  	_ =	shalt  }
0x54: {  	_ =	shalt  }
0x55: {  	_ =	shalt  }
0x56: {  	_ =	shalt  }
0x57: {  	_ =	shalt  }
0x58: {  	_ =	shalt  }
0x59: {  	_ =	shalt  }
0x5a: {  	_ =	shalt  }
0x5b: {  	_ =	shalt  }
0x5c: {  	_ =	shalt  }
0x5d: {  	_ =	shalt  }
0x5e: {  	_ =	shalt  }
0x5f: {  	_ =	shalt  }
0x60: {  	_ =	shalt  }
0x61: {  	_ =	shalt  }
0x62: {  	_ =	shalt  }
0x63: {  	_ =	shalt  }
0x64: {  	_ =	shalt  }
0x65: {  	_ =	shalt  }
0x66: {  	_ =	shalt  }
0x67: {  	_ =	shalt  }
0x68: {  	_ =	shalt  }
0x69: {  	_ =	shalt  }
0x6a: {  	_ =	shalt  }
0x6b: {  	_ =	shalt  }
0x6c: {  	_ =	shalt  }
0x6d: {  	_ =	shalt  }
0x6e: {  	_ =	shalt  }
0x6f: {  	_ =	shalt  }
0x70: {  	_ =	shalt  }
0x71: {  	_ =	shalt  }
0x72: {  	_ =	shalt  }
0x73: {  	_ =	shalt  }
0x74: {  	_ =	shalt  }
0x75: {  	_ =	shalt  }
0x76: {  	_ =	shalt  }
0x77: {  	_ =	shalt  }
0x78: {  	_ =	shalt  }
0x79: {  	_ =	shalt  }
0x7a: {  	_ =	shalt  }
0x7b: {  	_ =	shalt  }
0x7c: {  	_ =	shalt  }
0x7d: {  	_ =	shalt  }
0x7e: {  	_ =	shalt  }
0x7f: {  	_ =	shalt  }
0x80: {  	_ =	shalt  }
0x81: {  	_ =	shalt  }
0x82: {  	_ =	shalt  }
0x83: {  	_ =	shalt  }
0x84: {  	_ =	shalt  }
0x85: {  	_ =	shalt  }
0x86: {  	_ =	shalt  }
0x87: {  	_ =	shalt  }
.Lfunc_end0:
.L_simem_size_0:
called_computation_lowered:
.L_overlay_start_0:
0x88: {  	s2 =	sld [smem:$0x3FD9]  }
0x89: {  	s3 =	sld [smem:$0x3FFE];
	_ =	sdelay $0x1  }
0x8a: {  	s1 =	srdreg.scid  }
0x8b: {  	s0 =	sand.u32 $0x1, s1  }
0x8c: {  	s17 =	sshll.u32 s0, $0xA;
	s2 =	sadd.s32 s3, s2  }
0x8d: {  	s2 =	sadd.s32 s2, s17  }
0x8e: {  	[smem:$0x3FBD] =	sst s2  }
0x8f: {  	_ = 	snop  }
0x90: {  	s2 =	sld [smem:$0x3FD0];
	(tm) =	ssettm $0x1  }
0x91: {  	s18 =	sld [smem:$0x3FFB];
	_ =	sdelay $0x3  }
0x92: {  	_ =	strace s18  }
0x93: {  	s3 =	sld [smem:$0x3FFC];
	_ =	sdelay $0x3  }
0x94: {  	_ =	strace s3  }
0x95: {  	s3 =	sld [smem:$0x3FFD];
	_ =	sdelay $0x3  }
0x96: {  	_ =	strace s3  }
0x97: {  	_ =	strace $0x8FFFFFFF  }
0x98: {  	s19 =	sld [smem:$0x3FDB];
	_ =	sdelay $0x1  }
0x99: {  	s4 =	simm.s32 $_scs_section_size  }
0x9a: {  	s5 =	simm.s32 $_size__tile_overlayer_lowered;
	s6 =	simm.s32 $_tile_overlayer_lowered  }
0x9b: {  	s22 =	simm.s32 $0x1BFF;
	s21 =	sshll.u32 s6, $0x1;
	s3 =	sadd.s32 s4, s19  }
0x9c: {  	s7 =	simm.s32 $0x0;
	s20 =	sshll.u32 s5, $0x1;
	s5 =	sadd.s32 s21, s3  }
0x9d: {  	[timem:s7], [sflag:s22] =	dma.local [hbm:s5], s20  }
0x9e: {  	_ =	swait.ge [sflag:s22], s20  }
0x9f: {  	s4 =	ssub.s32 $0x0, s20;
	[sflag:s22] =	ssyncset.done $0x0  }
0xa0: {  	[sflag:s22] =	ssyncadd.s32 s4;
	_ =	sdelay $0x1  }
0xa1: {  	s23 =	simm.s32 $0x1B8B  }
0xa2: {  	_ =	swait.ge [sflag:s23], $0x1  }
0xa3: {  	[sflag:s23] =	ssyncset.done $0x0  }
0xa4: {  	s25 =	simm.s32 $0x1B8E;
	s24 =	sld [smem:$0x3FFE];
	[sflag:s23] =	ssyncadd.s32 $0xFFFFFFFF  }
0xa5: {  	s26 =	simm.s32 $execute0_lowered;
	[smem:$0x3FD2] =	sst s25  }
0xa6: {  	s5 =	sshll.u32 s26, $0x1;
	_ =	strace $0x80000046;
	[dreg:$0x1] =	wrdreg $0xFFFFFFFF  }
0xa7: {  	s28 =	simm.s32 $_size_execute0_lowered;
	s3 =	sadd.s32 s3, s5;
	[dreg:$0x0] =	wrdreg $0x0  }
0xa8: {  	s5 =	sshll.u32 s28, $0x1;
	[dreg:$0x2] =	wrdreg s3  }
0xa9: {  	[dreg:$0x3] =	wrdreg s5  }
0xaa: {  	[dreg:$0x4] =	wrdreg $0xC0  }
0xab: {  	_ =	task [dreg:s7], $0x5FFFF  }
0xac: {  	[dreg:$0x1] =	wrdreg $0xFFFFFFFF  }
0xad: {  	[dreg:$0x0] =	wrdreg $0x60  }
0xae: {  	[dreg:$0x2] =	wrdreg s24  }
0xaf: {  	[dreg:$0x3] =	wrdreg s2  }
0xb0: {  	[dreg:$0x4] =	wrdreg $0x34800  }
0xb1: {  	[dreg:$0x5] =	wrdreg $0x9  }
0xb2: {  	_ =	task.clear_ibuf [dreg:s7], $0x6FFFF;
	_ =	strace $0x90000046  }
0xb3: {  	s29 =	simm.s32 $0x9;
	_ =	strace $0x80000048  }
0xb4: {  	_ =	swait.ge [sflag:s29], $0x1  }
0xb5: {  	[sflag:s29] =	ssyncadd.s32 $0xFFFFFFFF  }
0xb6: {  	_ =	strace $0x90000048  }
0xb7: {  	_ =	sfence  }
0xb8: {  	s30 =	sld [smem:$0x0];
	_ =	sdelay $0x2  }
0xb9: {  	s31 =	sshll.u32 s1, $0xD;
	s1 =	sshrl.u32 s1, $0x2  }
0xba: {  	s3 =	sand.u32 $0x4000, s31;
	s1 =	sadd.s32 s1, s30  }
0xbb: {  	s0 =	sor.u32 s3, s0;
	s1 =	sshll.u32 s1, $0x11  }
0xbc: {  	s0 =	sor.u32 s1, s0  }
0xbd: {  	s0 =	sadd.s32 $0x8F2B, s0  }
0xbe: {  	[sflag:s0] =	ssyncadd.remote.s32 $0x1  }
0xbf: {  	_ =	sfence.sel $0xFFFF  }
0xc0: {  	[dreg:$0x0] =	wrdreg $0xFFFFFFFF;
	(pc) =	sbr.abs _section_cstart, $3  }
0xc1: {  	[dreg:$0x1] =	wrdreg $0xFFFFFFFF  }
0xc2: {  	_ =	task.clear_ibuf [dreg:s7], $0x2FFFF;
	_ =	strace $0x9FFFFFFF  }
0xc3: {  	(tm) =	ssettm $0x7FFFFFFF  }
tec
execute0_lowered:
.L_overlay_start_1:
0x0: {  	(tag) =	ssettag $0x1  }
0x1: {  	s6 =	rddreg [dreg:$0x0]  }
0x2: {  	s0 =	srdreg.scid;
	s2 =	rddreg [dreg:$0x1]  }
0x3: {  	s3 =	rddreg [dreg:$0x2];
	s4 =	simm.s32 $0x0;
	s13 =	simm.s32 $0x64  }
0x4: {  	s14 =	simm.s32 $0x20;
	s5 =	sand.u32 $0x1, s0;
	s0 =	stileid.u32  }
0x5: {  	s15 =	simm.s32 $0x10;
	s16 =	simm.s32 $0x0;
	s8 =	smul.u32 $0x500, s0  }
0x6: {  	[smem:$0x7FF] =	sst s4;
	s1 =	sshll.u32 s5, $0x4;
	s9 =	smul.u32 $0x280, s0  }
0x7: {  	s10 =	sshll.u32 s5, $0x7;
	s5 =	ssub.s32 $0x2, s5;
	s1 =	sor.u32 s0, s1  }
0x8: {  	s31 =	sshll.u32 s0, $0x6;
	s30 =	sshrl.u32 s5, $0x1;
	s7 =	smul.u32 $0x680, s1  }
0x9: {  	s1 =	rddreg [dreg:$0x3];
	_ =	strace $0x80000047;
	s8 =	sor.u32 s10, s8  }
0xa: {  	s29 =	sshrl.u32 s9, $0x3;
	s11 =	ssub.s32 s5, s30;
	s12 =	sadd.s32 s9, s3  }
0xb: {  	s8 =	sshrl.u32 s8, $0x3;
	s10 =	sadd.s32 s29, s6;
	s9 =	smax.u32 s11, $0x1  }
0xc: {  	s11 =	simm.s32 $0x1;
	s7 =	sadd.s32 s7, s6;
	s8 =	sadd.s32 s8, s6  }
0xd: {  	s5 =	sadd.s32 $0xF800, s10;
	s6 =	sor.u32 $0x1C01, s31;
	s10 =	sshrl.u32 s12, $0x3  }
0xe: {  	s12 =	simm.s32 $0x3400;
	s7 =	sadd.s32 $0x2800, s7;
	s8 =	sadd.s32 $0xFE00, s8  }
.LBB2_1:
0xf: {  	[spmem:s10], [sflag:s6] =	dma.local [hbm:s5], $0x50  }
0x10: {  	_ =	swait.ge [sflag:s11], $0x50  }
0x11: {  	[sflag:s11] =	ssyncset.done $0x0  }
0x12: {  	[sflag:s11] =	ssyncadd.s32 $0xFFFFFFB0  }
0x13: {  	[tilespmem:s4], [sflag:$0x1] =	stream.linear.gather [hbm4b:s7+s4], $0x3200, $0x38;
	[tilespmem:$0x3700] =	vst v63  }
0x14: {  	_ =	swait.ge [sflag:s11], $0x3200  }
0x15: {  	[sflag:s11] =	ssyncset.done $0x0  }
0x16: {  	[sflag:s11] =	ssyncadd.s32 $0xFFFFCE00  }
0x17: {  	[tilespmem:s12], [sflag:$0x1] =	stream.linear.gather [hbm4b:s2+s4], $0x80, $0x38;
	[tilespmem:$0x3700] =	vst v63  }
0x18: {  	_ =	swait.ge [sflag:s11], $0x80  }
0x19: {  	[sflag:s11] =	ssyncset.done $0x0  }
0x1a: {  	[sflag:s11] =	ssyncadd.s32 $0xFFFFFF80  }
0x1b: {  	s17 =	simm.s32 $0x0;
	[bflag:$0x0] =	sbarrier.arrive $0xFFFF  }
0x1c: {  	[spmem:s3] =	stream.indirect.scatter.add.f32 [tilespmem:s12], [sflag:$0x1], $0x1, s17, s13, $0xb8;
	[tilespmem:$0x3700] =	vst v63  }
0x1d: {  	_ =	swait.ge [sflag:s11], $0x64  }
0x1e: {  	s17 =	simm.s32 $0x200;
	[sflag:s11] =	ssyncset.done $0x0  }
.LBB2_2:
0x1f: {  	s18 =	sshra.s32 s17, $0x2;
	[sflag:s11] =	ssyncadd.s32 $0xFFFFFF9C;
	p0 =	sne.s32 s17, $0xC600  }
0x20: {  	[spmem:s3] =	stream.indirect.scatter.add.f32 [tilespmem:s12], [sflag:$0x1], $0x1, s18, s13, $0xb8;
	[tilespmem:$0x3700] =	vst v63  }
.Ltmp0:
0x21: {  	_ = 	snop;
	(pc) =	sbr.rel @p0 .LBB2_2-.Ltmp0, $4  }
0x22: {  	_ = 	snop  }
0x23: {  	s17 =	sadd.s32 $0x200, s17  }
0x24: {  	_ =	swait.ge [sflag:s11], $0x64  }
0x25: {  	[sflag:s11] =	ssyncset.done $0x0  }
0x26: {  	s16 =	sadd.s32 $0x1, s16  }
0x27: {  	[sflag:s11] =	ssyncadd.s32 $0xFFFFFF9C;
	p0 =	sne.s32 s16, s9  }
.Ltmp1:
0x28: {  	[bflag:$0x0] =	sbarrier.arrive $0xFFFF;
	(pc) =	sbr.rel @p0 .LBB2_1-.Ltmp1, $4  }
0x29: {  	[hbm:s8@s14], [sflag:s6] =	dma.strided [spmem:s10@s15], $0x50, s11, $0x10   }
0x2a: {  	_ =	swait.ge [sflag:s11], $0x50  }
0x2b: {  	[sflag:s11] =	ssyncset.done $0x0  }
0x2c: {  	[sflag:s11] =	ssyncadd.s32 $0xFFFFFFB0  }
0x2d: {  	_ =	sfence.sel $0x180000  }
0x2e: {  	[bflag:$0x0] =	sbarrier.arrive $0xFFFF  }
0x2f: {  	p0 =	sne.s32 s0, $0x0;
	_ =	strace $0x90000047  }
0x30: {  	s0 =	sadd.s32 @!p0 $0x100000, s1;
	[bflag:$0x2] =	sbarrier.arrive $0xFFFF  }
0x31: {  	[sflag:s0] =	ssyncadd.tile.s32 @!p0 $0x1;
	_ =	shalt  }
.Lfunc_end2:
_tile_overlayer_lowered:
.L_overlay_start_2:
0x32: {  	(tag) =	ssettag $0x2  }
0x33: {  	s0 =	rddreg [dreg:$0x0];
	s2 =	stileid.u32  }
0x34: {  	s1 =	rddreg [dreg:$0x1];
	p0 =	sne.s32 s2, $0x0  }
0x35: {  	s3 =	rddreg [dreg:$0x2];
	[bflag:$0x3] =	sbarrier.arrive $0xFFFF;
	s2 =	simm.s32 @!p0 $0x1C01  }
0x36: {  	[timem:s3], [sflag:s2] =	dma.local @!p0 [hbm:s0], s1  }
0x37: {  	s0 =	simm.s32 @!p0 $0x1  }
0x38: {  	_ =	swait.ge @!p0 [sflag:s0], s1  }
0x39: {  	s1 =	ssub.s32 @!p0 $0x0, s1;
	[sflag:s0] =	ssyncset.done @!p0 $0x0  }
0x3a: {  	[sflag:s0] =	ssyncadd.s32 @!p0 s1  }
0x3b: {  	[bflag:$0x3] =	sbarrier.arrive $0xFFFF  }
0x3c: {  	_ =	shalt  }

</sc_bundles>
